<compile_context>
chip_gen: v7x
topology: tpu7x:2x2x1
jax: 0.10.2.dev20260603
libtpu: 0.0.44.dev20260713+nightly
codegen_flags: <defaults>
</compile_context>

<pallas_src>
import functools

import jax
import jax.numpy as jnp
from jax import lax
from jax.experimental import pallas as pl
from jax.experimental.pallas import tpu as pltpu
from jax.experimental.pallas import tpu_sc as plsc

MODEL_DIM = 64
SCALE = float(MODEL_DIM) ** 0.5

_info = plsc.get_sparse_core_info()
NC, NS, L = _info.num_cores, _info.num_subcores, _info.num_lanes
NW = NC * NS

CHUNK = 128
NBUF = 5
LEAD = 2

TBLOCK = 8192


def _transpose_scale(table_t):
    d, v = table_t.shape
    nblk = pl.cdiv(v, TBLOCK)
    hb = pl.cdiv(nblk, 2)

    def body(in0_ref, in1_ref, out_ref):
        a = jnp.swapaxes(in0_ref[...], 0, 1) * jnp.float32(SCALE)
        b = jnp.swapaxes(in1_ref[...], 0, 1) * jnp.float32(SCALE)
        out_ref[...] = jnp.concatenate([a, b], axis=1)

    return pl.pallas_call(
        body,
        grid=(hb,),
        in_specs=[
            pl.BlockSpec((d, TBLOCK), lambda h: (0, 2 * h)),
            pl.BlockSpec((d, TBLOCK), lambda h: (0, jnp.minimum(2 * h + 1, nblk - 1))),
        ],
        out_specs=pl.BlockSpec((TBLOCK, 2 * d), lambda h: (h, 0)),
        out_shape=jax.ShapeDtypeStruct((hb * TBLOCK, 2 * d), jnp.float32),
    )(table_t, table_t)


def _remap(r):
    b = r // TBLOCK
    w = r % TBLOCK
    return (b // 2) * (2 * TBLOCK) + 2 * w + (b % 2)


def _make_lookup(n_chunks):
    assert n_chunks % NBUF == 0 and n_chunks >= NBUF + LEAD
    n_groups = n_chunks // NBUF
    mesh = plsc.VectorSubcoreMesh(core_axis_name="c", subcore_axis_name="s")

    scratch = [pltpu.VMEM((n_chunks, CHUNK), jnp.int32)]
    scratch += [pltpu.VMEM((CHUNK, MODEL_DIM), jnp.float32) for _ in range(NBUF)]
    scratch += [pltpu.SemaphoreType.DMA for _ in range(2 * NBUF)]

    @functools.partial(
        pl.kernel,
        mesh=mesh,
        compiler_params=pltpu.CompilerParams(use_tc_tiling_on_sc=False),
        out_type=jax.ShapeDtypeStruct((NW, n_chunks, CHUNK, MODEL_DIM), jnp.float32),
        scratch_types=scratch,
    )
    def lookup(idx_hbm, table_hbm, out_hbm, idx_v, *bufs_and_sems):
        bufs = bufs_and_sems[:NBUF]
        gsem = bufs_and_sems[NBUF:2 * NBUF]
        ssem = bufs_and_sems[2 * NBUF:]
        wid = lax.axis_index("s") * NC + lax.axis_index("c")
        pltpu.sync_copy(idx_hbm.at[wid], idx_v)

        for c0 in range(LEAD):
            pltpu.async_copy(table_hbm.at[idx_v.at[c0]], bufs[c0], gsem[c0])

        def group(g, carry):
            for b in range(NBUF):
                c = g * NBUF + b
                r = c + LEAD
                rb = (b + LEAD) % NBUF
                rbuf, rgsem, rssem = bufs[rb], gsem[rb], ssem[rb]

                @pl.when(r < n_chunks)
                def _refill():
                    @pl.when(r >= NBUF)
                    def _wait_store():
                        pltpu.make_async_copy(
                            rbuf, out_hbm.at[wid, 0], rssem
                        ).wait()

                    pltpu.async_copy(table_hbm.at[idx_v.at[r]], rbuf, rgsem)

                buf = bufs[b]
                pltpu.make_async_copy(
                    table_hbm.at[idx_v.at[c]], buf, gsem[b]
                ).wait()
                pltpu.async_copy(buf, out_hbm.at[wid, c], ssem[b])
            return carry

        lax.fori_loop(0, n_groups, group, 0)

        for b in range(NBUF):
            pltpu.make_async_copy(bufs[b], out_hbm.at[wid, 0], ssem[b]).wait()

    return lookup


@jax.jit
def kernel(x, table):
    num_data, seq_len = x.shape
    total = num_data * seq_len
    n_chunks = total // (NW * CHUNK)
    vocab, d = table.shape
    tpacked = _transpose_scale(jnp.swapaxes(table, 0, 1))
    tflat = tpacked.reshape(tpacked.shape[0] * 2, d)
    idx = _remap(x.astype(jnp.int32)).reshape(NW, n_chunks, CHUNK)
    out = _make_lookup(n_chunks)(idx, tflat)
    return out.reshape(num_data, seq_len, MODEL_DIM)

# --- scband reference (transcript-rebuilt; emitter-appended) ---
"""Pipeline reference for scband-embedding-39015482917332 (READ-ONLY COPY).

The authoritative reference and input builder live on the scoring server;
editing this copy changes nothing except your own understanding.
"""

import jax, jax.numpy as jnp
import numpy as np

NUM_VOCAB = 1000000
MODEL_DIM = 64

def setup_inputs(seed: int = 0) -> dict:
    key = jax.random.key(seed)
    k1, k2 = jax.random.split(key)
    x = jax.random.randint(k1, (4096, 50), 0, NUM_VOCAB, dtype=jnp.int64) if jax.config.jax_enable_x64 else jax.random.randint(k1, (4096, 50), 0, NUM_VOCAB, dtype=jnp.int32)
    table = jax.random.normal(k2, (NUM_VOCAB, MODEL_DIM), dtype=jnp.float32)
    return {"x": x, "table": table}

def reference(x, table):
    # Embedding lookup followed by sqrt(model_dim) scaling, faithful to torch module
    emb = jnp.take(table, x, axis=0)  # (num_data, seq_len, model_dim)
    return emb * (MODEL_DIM ** 0.5)

if __name__ == "__main__":
    import jax
    _d = setup_inputs()
    print(jax.jit(kernel)(*tuple(_d.values())))

</pallas_src>

<mosaic_0001>
#map = affine_map<(d0, d1) -> (0, 0, 0)>
#map1 = affine_map<(d0, d1) -> (0, 0)>
#map2 = affine_map<(d0, d1) -> (0, 0, 0, 0)>
module attributes {stable_mosaic.version = 14 : i64} {
  func.func @lookup(%arg0: i32, %arg1: i32, %arg2: memref<32x50x128xi32, #tpu.memory_space<hbm>>, %arg3: memref<1015808x64xf32, #tpu.memory_space<hbm>>, %arg4: memref<32x50x128x64xf32, #tpu.memory_space<hbm>>, %arg5: memref<50x128xi32, #tpu.memory_space<vmem>>, %arg6: memref<128x64xf32, #tpu.memory_space<vmem>>, %arg7: memref<128x64xf32, #tpu.memory_space<vmem>>, %arg8: memref<128x64xf32, #tpu.memory_space<vmem>>, %arg9: memref<128x64xf32, #tpu.memory_space<vmem>>, %arg10: memref<128x64xf32, #tpu.memory_space<vmem>>, %arg11: memref<!tpu.dma_semaphore, #tpu.memory_space<semaphore_mem>>, %arg12: memref<!tpu.dma_semaphore, #tpu.memory_space<semaphore_mem>>, %arg13: memref<!tpu.dma_semaphore, #tpu.memory_space<semaphore_mem>>, %arg14: memref<!tpu.dma_semaphore, #tpu.memory_space<semaphore_mem>>, %arg15: memref<!tpu.dma_semaphore, #tpu.memory_space<semaphore_mem>>, %arg16: memref<!tpu.dma_semaphore, #tpu.memory_space<semaphore_mem>>, %arg17: memref<!tpu.dma_semaphore, #tpu.memory_space<semaphore_mem>>, %arg18: memref<!tpu.dma_semaphore, #tpu.memory_space<semaphore_mem>>, %arg19: memref<!tpu.dma_semaphore, #tpu.memory_space<semaphore_mem>>, %arg20: memref<!tpu.dma_semaphore, #tpu.memory_space<semaphore_mem>>) attributes {dimension_semantics = [#tpu.dimension_semantics<core_parallel>, #tpu.dimension_semantics<subcore_parallel>], iteration_bounds = array<i64: 2, 16>, scalar_prefetch = 0 : i64, scratch_operands = 16 : i64, tpu.core_type = #tpu.core_type<sc_vector_subcore>, window_params = [{transform_indices = #map}, {transform_indices = #map1}, {transform_indices = #map2}]} {
    %mul3A = arith.constant 2 : i32
    %mul3A_0 = arith.muli %arg1, %mul3A : i32
    %add3A = arith.addi %mul3A_0, %arg0 : i32
    "tpu.region"() ({
      %run_scoped3A = tpu.sem_alloc : memref<!tpu.dma_semaphore, #tpu.memory_space<semaphore_mem>>
      %dma_start3A_63 = arith.constant 0 : i32
      %dma_start3A_64 = arith.constant 0 : i32
      %dma_start3A_65 = tpu.memref_slice %arg2[%add3A, %dma_start3A_63, %dma_start3A_64] : memref<32x50x128xi32, #tpu.memory_space<hbm>> -> memref<1x50x128xi32, #tpu.memory_space<hbm>>
      %dma_start3A_66 = tpu.memref_squeeze %dma_start3A_65 : memref<1x50x128xi32, #tpu.memory_space<hbm>> -> memref<50x128xi32, #tpu.memory_space<hbm>>
      %dma_start3A_67 = arith.constant 0 : i32
      %dma_start3A_68 = arith.constant 0 : i32
      %dma_start3A_69 = tpu.memref_slice %arg2[%add3A, %dma_start3A_67, %dma_start3A_68] : memref<32x50x128xi32, #tpu.memory_space<hbm>> -> memref<1x50x128xi32, #tpu.memory_space<hbm>>
      %dma_start3A_70 = tpu.memref_squeeze %dma_start3A_69 : memref<1x50x128xi32, #tpu.memory_space<hbm>> -> memref<50x128xi32, #tpu.memory_space<hbm>>
      tpu.enqueue_dma source(%dma_start3A_70 : memref<50x128xi32, #tpu.memory_space<hbm>>) target(%arg5 : memref<50x128xi32, #tpu.memory_space<vmem>>) target_semaphore(%run_scoped3A : memref<!tpu.dma_semaphore, #tpu.memory_space<semaphore_mem>>)
      %dma_wait3A_71 = arith.constant 0 : i32
      %dma_wait3A_72 = arith.constant 0 : i32
      %dma_wait3A_73 = tpu.memref_slice %arg2[%add3A, %dma_wait3A_71, %dma_wait3A_72] : memref<32x50x128xi32, #tpu.memory_space<hbm>> -> memref<1x50x128xi32, #tpu.memory_space<hbm>>
      %dma_wait3A_74 = tpu.memref_squeeze %dma_wait3A_73 : memref<1x50x128xi32, #tpu.memory_space<hbm>> -> memref<50x128xi32, #tpu.memory_space<hbm>>
      %dma_wait3A_75 = arith.constant 0 : i32
      %dma_wait3A_76 = arith.constant 0 : i32
      %dma_wait3A_77 = tpu.memref_slice %arg2[%add3A, %dma_wait3A_75, %dma_wait3A_76] : memref<32x50x128xi32, #tpu.memory_space<hbm>> -> memref<1x50x128xi32, #tpu.memory_space<hbm>>
      %dma_wait3A_78 = tpu.memref_squeeze %dma_wait3A_77 : memref<1x50x128xi32, #tpu.memory_space<hbm>> -> memref<50x128xi32, #tpu.memory_space<hbm>>
      tpu.wait_dma2 semaphore(%run_scoped3A : memref<!tpu.dma_semaphore, #tpu.memory_space<semaphore_mem>>) src(%dma_wait3A_78 : memref<50x128xi32, #tpu.memory_space<hbm>>) dst(%arg5 : memref<50x128xi32, #tpu.memory_space<vmem>>)
      tpu.yield
    }) : () -> ()
    %dma_start3A = arith.constant 0 : i32
    %dma_start3A_1 = arith.constant 0 : i32
    %dma_start3A_2 = tpu.memref_slice %arg5[%dma_start3A, %dma_start3A_1] : memref<50x128xi32, #tpu.memory_space<vmem>> -> memref<1x128xi32, #tpu.memory_space<vmem>>
    %dma_start3A_3 = tpu.memref_squeeze %dma_start3A_2 : memref<1x128xi32, #tpu.memory_space<vmem>> -> memref<128xi32, #tpu.memory_space<vmem>>
    %dma_start3A_4 = arith.constant 0 : i32
    %dma_start3A_5 = arith.constant 0 : i32
    %dma_start3A_6 = tpu.memref_slice %arg3[%dma_start3A_4, %dma_start3A_5] : memref<1015808x64xf32, #tpu.memory_space<hbm>> -> memref<1015808x64xf32, #tpu.memory_space<hbm>>
    tpu.enqueue_indirect_dma source(%dma_start3A_6 : memref<1015808x64xf32, #tpu.memory_space<hbm>>) target(%arg6 : memref<128x64xf32, #tpu.memory_space<vmem>>) offsets(%dma_start3A_3 : memref<128xi32, #tpu.memory_space<vmem>>) semaphore(%arg11 : memref<!tpu.dma_semaphore, #tpu.memory_space<semaphore_mem>>)
    %dma_start3A_7 = arith.constant 1 : i32
    %dma_start3A_8 = arith.constant 0 : i32
    %dma_start3A_9 = tpu.memref_slice %arg5[%dma_start3A_7, %dma_start3A_8] : memref<50x128xi32, #tpu.memory_space<vmem>> -> memref<1x128xi32, #tpu.memory_space<vmem>>
    %dma_start3A_10 = tpu.memref_squeeze %dma_start3A_9 : memref<1x128xi32, #tpu.memory_space<vmem>> -> memref<128xi32, #tpu.memory_space<vmem>>
    %dma_start3A_11 = arith.constant 0 : i32
    %dma_start3A_12 = arith.constant 0 : i32
    %dma_start3A_13 = tpu.memref_slice %arg3[%dma_start3A_11, %dma_start3A_12] : memref<1015808x64xf32, #tpu.memory_space<hbm>> -> memref<1015808x64xf32, #tpu.memory_space<hbm>>
    tpu.enqueue_indirect_dma source(%dma_start3A_13 : memref<1015808x64xf32, #tpu.memory_space<hbm>>) target(%arg7 : memref<128x64xf32, #tpu.memory_space<vmem>>) offsets(%dma_start3A_10 : memref<128xi32, #tpu.memory_space<vmem>>) semaphore(%arg12 : memref<!tpu.dma_semaphore, #tpu.memory_space<semaphore_mem>>)
    %scan3A = arith.constant 0 : i32
    %scan3A_14 = arith.constant 0 : i32
    %scan3A_15 = arith.constant 10 : i32
    %scan3A_16 = arith.addi %scan3A_14, %scan3A_15 : i32
    %scan3A_17 = arith.constant 1 : i32
    scf.for %scan3A_63 = %scan3A_14 to %scan3A_16 step %scan3A_17  : i32 {
      %mul3A_64 = arith.constant 5 : i32
      %mul3A_65 = arith.muli %scan3A_63, %mul3A_64 : i32
      %add3A_66 = arith.constant 0 : i32
      %add3A_67 = arith.addi %mul3A_65, %add3A_66 : i32
      %add3A_68 = arith.constant 2 : i32
      %add3A_69 = arith.addi %add3A_67, %add3A_68 : i32
      %lt3A = arith.constant 50 : i32
      %lt3A_70 = arith.cmpi slt, %add3A_69, %lt3A : i32
      %convert_element_type3A = arith.extui %lt3A_70 : i1 to i32
      %cond3A = arith.constant 0 : i32
      %cond3A_71 = arith.cmpi ne, %convert_element_type3A, %cond3A : i32
      scf.if %cond3A_71 {
        %ge3A = arith.constant 5 : i32
        %ge3A_186 = arith.cmpi sge, %add3A_69, %ge3A : i32
        %convert_element_type3A_187 = arith.extui %ge3A_186 : i1 to i32
        %cond3A_188 = arith.constant 0 : i32
        %cond3A_189 = arith.cmpi ne, %convert_element_type3A_187, %cond3A_188 : i32
        scf.if %cond3A_189 {
          %dma_wait3A_196 = arith.constant 0 : i32
          %dma_wait3A_197 = arith.constant 0 : i32
          %dma_wait3A_198 = arith.constant 0 : i32
          %dma_wait3A_199 = tpu.memref_slice %arg4[%add3A, %dma_wait3A_196, %dma_wait3A_197, %dma_wait3A_198] : memref<32x50x128x64xf32, #tpu.memory_space<hbm>> -> memref<1x1x128x64xf32, #tpu.memory_space<hbm>>
          %dma_wait3A_200 = tpu.memref_squeeze %dma_wait3A_199 : memref<1x1x128x64xf32, #tpu.memory_space<hbm>> -> memref<128x64xf32, #tpu.memory_space<hbm>>
          %dma_wait3A_201 = arith.constant 0 : i32
          %dma_wait3A_202 = arith.constant 0 : i32
          %dma_wait3A_203 = tpu.memref_slice %arg4[%add3A, %dma_wait3A_196, %dma_wait3A_201, %dma_wait3A_202] : memref<32x50x128x64xf32, #tpu.memory_space<hbm>> -> memref<1x1x128x64xf32, #tpu.memory_space<hbm>>
          %dma_wait3A_204 = tpu.memref_squeeze %dma_wait3A_203 : memref<1x1x128x64xf32, #tpu.memory_space<hbm>> -> memref<128x64xf32, #tpu.memory_space<hbm>>
          tpu.wait_dma2 semaphore(%arg18 : memref<!tpu.dma_semaphore, #tpu.memory_space<semaphore_mem>>) src(%arg8 : memref<128x64xf32, #tpu.memory_space<vmem>>) dst(%dma_wait3A_204 : memref<128x64xf32, #tpu.memory_space<hbm>>)
        } else {
        }
        %dma_start3A_190 = arith.constant 0 : i32
        %dma_start3A_191 = tpu.memref_slice %arg5[%add3A_69, %dma_start3A_190] : memref<50x128xi32, #tpu.memory_space<vmem>> -> memref<1x128xi32, #tpu.memory_space<vmem>>
        %dma_start3A_192 = tpu.memref_squeeze %dma_start3A_191 : memref<1x128xi32, #tpu.memory_space<vmem>> -> memref<128xi32, #tpu.memory_space<vmem>>
        %dma_start3A_193 = arith.constant 0 : i32
        %dma_start3A_194 = arith.constant 0 : i32
        %dma_start3A_195 = tpu.memref_slice %arg3[%dma_start3A_193, %dma_start3A_194] : memref<1015808x64xf32, #tpu.memory_space<hbm>> -> memref<1015808x64xf32, #tpu.memory_space<hbm>>
        tpu.enqueue_indirect_dma source(%dma_start3A_195 : memref<1015808x64xf32, #tpu.memory_space<hbm>>) target(%arg8 : memref<128x64xf32, #tpu.memory_space<vmem>>) offsets(%dma_start3A_192 : memref<128xi32, #tpu.memory_space<vmem>>) semaphore(%arg13 : memref<!tpu.dma_semaphore, #tpu.memory_space<semaphore_mem>>)
      } else {
      }
      %dma_wait3A_72 = arith.constant 0 : i32
      %dma_wait3A_73 = tpu.memref_slice %arg5[%add3A_67, %dma_wait3A_72] : memref<50x128xi32, #tpu.memory_space<vmem>> -> memref<1x128xi32, #tpu.memory_space<vmem>>
      %dma_wait3A_74 = tpu.memref_squeeze %dma_wait3A_73 : memref<1x128xi32, #tpu.memory_space<vmem>> -> memref<128xi32, #tpu.memory_space<vmem>>
      %dma_wait3A_75 = arith.constant 0 : i32
      %dma_wait3A_76 = arith.constant 0 : i32
      %dma_wait3A_77 = tpu.memref_slice %arg3[%dma_wait3A_75, %dma_wait3A_76] : memref<1015808x64xf32, #tpu.memory_space<hbm>> -> memref<1015808x64xf32, #tpu.memory_space<hbm>>
      tpu.wait_indirect_dma semaphore(%arg11 : memref<!tpu.dma_semaphore, #tpu.memory_space<semaphore_mem>>) src(%dma_wait3A_77 : memref<1015808x64xf32, #tpu.memory_space<hbm>>) dst(%arg6 : memref<128x64xf32, #tpu.memory_space<vmem>>)
      %dma_start3A_78 = arith.constant 0 : i32
      %dma_start3A_79 = arith.constant 0 : i32
      %dma_start3A_80 = tpu.memref_slice %arg4[%add3A, %add3A_67, %dma_start3A_78, %dma_start3A_79] : memref<32x50x128x64xf32, #tpu.memory_space<hbm>> -> memref<1x1x128x64xf32, #tpu.memory_space<hbm>>
      %dma_start3A_81 = tpu.memref_squeeze %dma_start3A_80 : memref<1x1x128x64xf32, #tpu.memory_space<hbm>> -> memref<128x64xf32, #tpu.memory_space<hbm>>
      %dma_start3A_82 = arith.constant 0 : i32
      %dma_start3A_83 = arith.constant 0 : i32
      %dma_start3A_84 = tpu.memref_slice %arg4[%add3A, %add3A_67, %dma_start3A_82, %dma_start3A_83] : memref<32x50x128x64xf32, #tpu.memory_space<hbm>> -> memref<1x1x128x64xf32, #tpu.memory_space<hbm>>
      %dma_start3A_85 = tpu.memref_squeeze %dma_start3A_84 : memref<1x1x128x64xf32, #tpu.memory_space<hbm>> -> memref<128x64xf32, #tpu.memory_space<hbm>>
      tpu.enqueue_dma source(%arg6 : memref<128x64xf32, #tpu.memory_space<vmem>>) target(%dma_start3A_85 : memref<128x64xf32, #tpu.memory_space<hbm>>) target_semaphore(%arg16 : memref<!tpu.dma_semaphore, #tpu.memory_space<semaphore_mem>>)
      %mul3A_86 = arith.constant 5 : i32
      %mul3A_87 = arith.muli %scan3A_63, %mul3A_86 : i32
      %add3A_88 = arith.constant 1 : i32
      %add3A_89 = arith.addi %mul3A_87, %add3A_88 : i32
      %add3A_90 = arith.constant 2 : i32
      %add3A_91 = arith.addi %add3A_89, %add3A_90 : i32
      %lt3A_92 = arith.constant 50 : i32
      %lt3A_93 = arith.cmpi slt, %add3A_91, %lt3A_92 : i32
      %convert_element_type3A_94 = arith.extui %lt3A_93 : i1 to i32
      %cond3A_95 = arith.constant 0 : i32
      %cond3A_96 = arith.cmpi ne, %convert_element_type3A_94, %cond3A_95 : i32
      scf.if %cond3A_96 {
        %ge3A = arith.constant 5 : i32
        %ge3A_186 = arith.cmpi sge, %add3A_91, %ge3A : i32
        %convert_element_type3A_187 = arith.extui %ge3A_186 : i1 to i32
        %cond3A_188 = arith.constant 0 : i32
        %cond3A_189 = arith.cmpi ne, %convert_element_type3A_187, %cond3A_188 : i32
        scf.if %cond3A_189 {
          %dma_wait3A_196 = arith.constant 0 : i32
          %dma_wait3A_197 = arith.constant 0 : i32
          %dma_wait3A_198 = arith.constant 0 : i32
          %dma_wait3A_199 = tpu.memref_slice %arg4[%add3A, %dma_wait3A_196, %dma_wait3A_197, %dma_wait3A_198] : memref<32x50x128x64xf32, #tpu.memory_space<hbm>> -> memref<1x1x128x64xf32, #tpu.memory_space<hbm>>
          %dma_wait3A_200 = tpu.memref_squeeze %dma_wait3A_199 : memref<1x1x128x64xf32, #tpu.memory_space<hbm>> -> memref<128x64xf32, #tpu.memory_space<hbm>>
          %dma_wait3A_201 = arith.constant 0 : i32
          %dma_wait3A_202 = arith.constant 0 : i32
          %dma_wait3A_203 = tpu.memref_slice %arg4[%add3A, %dma_wait3A_196, %dma_wait3A_201, %dma_wait3A_202] : memref<32x50x128x64xf32, #tpu.memory_space<hbm>> -> memref<1x1x128x64xf32, #tpu.memory_space<hbm>>
          %dma_wait3A_204 = tpu.memref_squeeze %dma_wait3A_203 : memref<1x1x128x64xf32, #tpu.memory_space<hbm>> -> memref<128x64xf32, #tpu.memory_space<hbm>>
          tpu.wait_dma2 semaphore(%arg19 : memref<!tpu.dma_semaphore, #tpu.memory_space<semaphore_mem>>) src(%arg9 : memref<128x64xf32, #tpu.memory_space<vmem>>) dst(%dma_wait3A_204 : memref<128x64xf32, #tpu.memory_space<hbm>>)
        } else {
        }
        %dma_start3A_190 = arith.constant 0 : i32
        %dma_start3A_191 = tpu.memref_slice %arg5[%add3A_91, %dma_start3A_190] : memref<50x128xi32, #tpu.memory_space<vmem>> -> memref<1x128xi32, #tpu.memory_space<vmem>>
        %dma_start3A_192 = tpu.memref_squeeze %dma_start3A_191 : memref<1x128xi32, #tpu.memory_space<vmem>> -> memref<128xi32, #tpu.memory_space<vmem>>
        %dma_start3A_193 = arith.constant 0 : i32
        %dma_start3A_194 = arith.constant 0 : i32
        %dma_start3A_195 = tpu.memref_slice %arg3[%dma_start3A_193, %dma_start3A_194] : memref<1015808x64xf32, #tpu.memory_space<hbm>> -> memref<1015808x64xf32, #tpu.memory_space<hbm>>
        tpu.enqueue_indirect_dma source(%dma_start3A_195 : memref<1015808x64xf32, #tpu.memory_space<hbm>>) target(%arg9 : memref<128x64xf32, #tpu.memory_space<vmem>>) offsets(%dma_start3A_192 : memref<128xi32, #tpu.memory_space<vmem>>) semaphore(%arg14 : memref<!tpu.dma_semaphore, #tpu.memory_space<semaphore_mem>>)
      } else {
      }
      %dma_wait3A_97 = arith.constant 0 : i32
      %dma_wait3A_98 = tpu.memref_slice %arg5[%add3A_89, %dma_wait3A_97] : memref<50x128xi32, #tpu.memory_space<vmem>> -> memref<1x128xi32, #tpu.memory_space<vmem>>
      %dma_wait3A_99 = tpu.memref_squeeze %dma_wait3A_98 : memref<1x128xi32, #tpu.memory_space<vmem>> -> memref<128xi32, #tpu.memory_space<vmem>>
      %dma_wait3A_100 = arith.constant 0 : i32
      %dma_wait3A_101 = arith.constant 0 : i32
      %dma_wait3A_102 = tpu.memref_slice %arg3[%dma_wait3A_100, %dma_wait3A_101] : memref<1015808x64xf32, #tpu.memory_space<hbm>> -> memref<1015808x64xf32, #tpu.memory_space<hbm>>
      tpu.wait_indirect_dma semaphore(%arg12 : memref<!tpu.dma_semaphore, #tpu.memory_space<semaphore_mem>>) src(%dma_wait3A_102 : memref<1015808x64xf32, #tpu.memory_space<hbm>>) dst(%arg7 : memref<128x64xf32, #tpu.memory_space<vmem>>)
      %dma_start3A_103 = arith.constant 0 : i32
      %dma_start3A_104 = arith.constant 0 : i32
      %dma_start3A_105 = tpu.memref_slice %arg4[%add3A, %add3A_89, %dma_start3A_103, %dma_start3A_104] : memref<32x50x128x64xf32, #tpu.memory_space<hbm>> -> memref<1x1x128x64xf32, #tpu.memory_space<hbm>>
      %dma_start3A_106 = tpu.memref_squeeze %dma_start3A_105 : memref<1x1x128x64xf32, #tpu.memory_space<hbm>> -> memref<128x64xf32, #tpu.memory_space<hbm>>
      %dma_start3A_107 = arith.constant 0 : i32
      %dma_start3A_108 = arith.constant 0 : i32
      %dma_start3A_109 = tpu.memref_slice %arg4[%add3A, %add3A_89, %dma_start3A_107, %dma_start3A_108] : memref<32x50x128x64xf32, #tpu.memory_space<hbm>> -> memref<1x1x128x64xf32, #tpu.memory_space<hbm>>
      %dma_start3A_110 = tpu.memref_squeeze %dma_start3A_109 : memref<1x1x128x64xf32, #tpu.memory_space<hbm>> -> memref<128x64xf32, #tpu.memory_space<hbm>>
      tpu.enqueue_dma source(%arg7 : memref<128x64xf32, #tpu.memory_space<vmem>>) target(%dma_start3A_110 : memref<128x64xf32, #tpu.memory_space<hbm>>) target_semaphore(%arg17 : memref<!tpu.dma_semaphore, #tpu.memory_space<semaphore_mem>>)
      %mul3A_111 = arith.constant 5 : i32
      %mul3A_112 = arith.muli %scan3A_63, %mul3A_111 : i32
      %add3A_113 = arith.constant 2 : i32
      %add3A_114 = arith.addi %mul3A_112, %add3A_113 : i32
      %add3A_115 = arith.constant 2 : i32
      %add3A_116 = arith.addi %add3A_114, %add3A_115 : i32
      %lt3A_117 = arith.constant 50 : i32
      %lt3A_118 = arith.cmpi slt, %add3A_116, %lt3A_117 : i32
      %convert_element_type3A_119 = arith.extui %lt3A_118 : i1 to i32
      %cond3A_120 = arith.constant 0 : i32
      %cond3A_121 = arith.cmpi ne, %convert_element_type3A_119, %cond3A_120 : i32
      scf.if %cond3A_121 {
        %ge3A = arith.constant 5 : i32
        %ge3A_186 = arith.cmpi sge, %add3A_116, %ge3A : i32
        %convert_element_type3A_187 = arith.extui %ge3A_186 : i1 to i32
        %cond3A_188 = arith.constant 0 : i32
        %cond3A_189 = arith.cmpi ne, %convert_element_type3A_187, %cond3A_188 : i32
        scf.if %cond3A_189 {
          %dma_wait3A_196 = arith.constant 0 : i32
          %dma_wait3A_197 = arith.constant 0 : i32
          %dma_wait3A_198 = arith.constant 0 : i32
          %dma_wait3A_199 = tpu.memref_slice %arg4[%add3A, %dma_wait3A_196, %dma_wait3A_197, %dma_wait3A_198] : memref<32x50x128x64xf32, #tpu.memory_space<hbm>> -> memref<1x1x128x64xf32, #tpu.memory_space<hbm>>
          %dma_wait3A_200 = tpu.memref_squeeze %dma_wait3A_199 : memref<1x1x128x64xf32, #tpu.memory_space<hbm>> -> memref<128x64xf32, #tpu.memory_space<hbm>>
          %dma_wait3A_201 = arith.constant 0 : i32
          %dma_wait3A_202 = arith.constant 0 : i32
          %dma_wait3A_203 = tpu.memref_slice %arg4[%add3A, %dma_wait3A_196, %dma_wait3A_201, %dma_wait3A_202] : memref<32x50x128x64xf32, #tpu.memory_space<hbm>> -> memref<1x1x128x64xf32, #tpu.memory_space<hbm>>
          %dma_wait3A_204 = tpu.memref_squeeze %dma_wait3A_203 : memref<1x1x128x64xf32, #tpu.memory_space<hbm>> -> memref<128x64xf32, #tpu.memory_space<hbm>>
          tpu.wait_dma2 semaphore(%arg20 : memref<!tpu.dma_semaphore, #tpu.memory_space<semaphore_mem>>) src(%arg10 : memref<128x64xf32, #tpu.memory_space<vmem>>) dst(%dma_wait3A_204 : memref<128x64xf32, #tpu.memory_space<hbm>>)
        } else {
        }
        %dma_start3A_190 = arith.constant 0 : i32
        %dma_start3A_191 = tpu.memref_slice %arg5[%add3A_116, %dma_start3A_190] : memref<50x128xi32, #tpu.memory_space<vmem>> -> memref<1x128xi32, #tpu.memory_space<vmem>>
        %dma_start3A_192 = tpu.memref_squeeze %dma_start3A_191 : memref<1x128xi32, #tpu.memory_space<vmem>> -> memref<128xi32, #tpu.memory_space<vmem>>
        %dma_start3A_193 = arith.constant 0 : i32
        %dma_start3A_194 = arith.constant 0 : i32
        %dma_start3A_195 = tpu.memref_slice %arg3[%dma_start3A_193, %dma_start3A_194] : memref<1015808x64xf32, #tpu.memory_space<hbm>> -> memref<1015808x64xf32, #tpu.memory_space<hbm>>
        tpu.enqueue_indirect_dma source(%dma_start3A_195 : memref<1015808x64xf32, #tpu.memory_space<hbm>>) target(%arg10 : memref<128x64xf32, #tpu.memory_space<vmem>>) offsets(%dma_start3A_192 : memref<128xi32, #tpu.memory_space<vmem>>) semaphore(%arg15 : memref<!tpu.dma_semaphore, #tpu.memory_space<semaphore_mem>>)
      } else {
      }
      %dma_wait3A_122 = arith.constant 0 : i32
      %dma_wait3A_123 = tpu.memref_slice %arg5[%add3A_114, %dma_wait3A_122] : memref<50x128xi32, #tpu.memory_space<vmem>> -> memref<1x128xi32, #tpu.memory_space<vmem>>
      %dma_wait3A_124 = tpu.memref_squeeze %dma_wait3A_123 : memref<1x128xi32, #tpu.memory_space<vmem>> -> memref<128xi32, #tpu.memory_space<vmem>>
      %dma_wait3A_125 = arith.constant 0 : i32
      %dma_wait3A_126 = arith.constant 0 : i32
      %dma_wait3A_127 = tpu.memref_slice %arg3[%dma_wait3A_125, %dma_wait3A_126] : memref<1015808x64xf32, #tpu.memory_space<hbm>> -> memref<1015808x64xf32, #tpu.memory_space<hbm>>
      tpu.wait_indirect_dma semaphore(%arg13 : memref<!tpu.dma_semaphore, #tpu.memory_space<semaphore_mem>>) src(%dma_wait3A_127 : memref<1015808x64xf32, #tpu.memory_space<hbm>>) dst(%arg8 : memref<128x64xf32, #tpu.memory_space<vmem>>)
      %dma_start3A_128 = arith.constant 0 : i32
      %dma_start3A_129 = arith.constant 0 : i32
      %dma_start3A_130 = tpu.memref_slice %arg4[%add3A, %add3A_114, %dma_start3A_128, %dma_start3A_129] : memref<32x50x128x64xf32, #tpu.memory_space<hbm>> -> memref<1x1x128x64xf32, #tpu.memory_space<hbm>>
      %dma_start3A_131 = tpu.memref_squeeze %dma_start3A_130 : memref<1x1x128x64xf32, #tpu.memory_space<hbm>> -> memref<128x64xf32, #tpu.memory_space<hbm>>
      %dma_start3A_132 = arith.constant 0 : i32
      %dma_start3A_133 = arith.constant 0 : i32
      %dma_start3A_134 = tpu.memref_slice %arg4[%add3A, %add3A_114, %dma_start3A_132, %dma_start3A_133] : memref<32x50x128x64xf32, #tpu.memory_space<hbm>> -> memref<1x1x128x64xf32, #tpu.memory_space<hbm>>
      %dma_start3A_135 = tpu.memref_squeeze %dma_start3A_134 : memref<1x1x128x64xf32, #tpu.memory_space<hbm>> -> memref<128x64xf32, #tpu.memory_space<hbm>>
      tpu.enqueue_dma source(%arg8 : memref<128x64xf32, #tpu.memory_space<vmem>>) target(%dma_start3A_135 : memref<128x64xf32, #tpu.memory_space<hbm>>) target_semaphore(%arg18 : memref<!tpu.dma_semaphore, #tpu.memory_space<semaphore_mem>>)
      %mul3A_136 = arith.constant 5 : i32
      %mul3A_137 = arith.muli %scan3A_63, %mul3A_136 : i32
      %add3A_138 = arith.constant 3 : i32
      %add3A_139 = arith.addi %mul3A_137, %add3A_138 : i32
      %add3A_140 = arith.constant 2 : i32
      %add3A_141 = arith.addi %add3A_139, %add3A_140 : i32
      %lt3A_142 = arith.constant 50 : i32
      %lt3A_143 = arith.cmpi slt, %add3A_141, %lt3A_142 : i32
      %convert_element_type3A_144 = arith.extui %lt3A_143 : i1 to i32
      %cond3A_145 = arith.constant 0 : i32
      %cond3A_146 = arith.cmpi ne, %convert_element_type3A_144, %cond3A_145 : i32
      scf.if %cond3A_146 {
        %ge3A = arith.constant 5 : i32
        %ge3A_186 = arith.cmpi sge, %add3A_141, %ge3A : i32
        %convert_element_type3A_187 = arith.extui %ge3A_186 : i1 to i32
        %cond3A_188 = arith.constant 0 : i32
        %cond3A_189 = arith.cmpi ne, %convert_element_type3A_187, %cond3A_188 : i32
        scf.if %cond3A_189 {
          %dma_wait3A_196 = arith.constant 0 : i32
          %dma_wait3A_197 = arith.constant 0 : i32
          %dma_wait3A_198 = arith.constant 0 : i32
          %dma_wait3A_199 = tpu.memref_slice %arg4[%add3A, %dma_wait3A_196, %dma_wait3A_197, %dma_wait3A_198] : memref<32x50x128x64xf32, #tpu.memory_space<hbm>> -> memref<1x1x128x64xf32, #tpu.memory_space<hbm>>
          %dma_wait3A_200 = tpu.memref_squeeze %dma_wait3A_199 : memref<1x1x128x64xf32, #tpu.memory_space<hbm>> -> memref<128x64xf32, #tpu.memory_space<hbm>>
          %dma_wait3A_201 = arith.constant 0 : i32
          %dma_wait3A_202 = arith.constant 0 : i32
          %dma_wait3A_203 = tpu.memref_slice %arg4[%add3A, %dma_wait3A_196, %dma_wait3A_201, %dma_wait3A_202] : memref<32x50x128x64xf32, #tpu.memory_space<hbm>> -> memref<1x1x128x64xf32, #tpu.memory_space<hbm>>
          %dma_wait3A_204 = tpu.memref_squeeze %dma_wait3A_203 : memref<1x1x128x64xf32, #tpu.memory_space<hbm>> -> memref<128x64xf32, #tpu.memory_space<hbm>>
          tpu.wait_dma2 semaphore(%arg16 : memref<!tpu.dma_semaphore, #tpu.memory_space<semaphore_mem>>) src(%arg6 : memref<128x64xf32, #tpu.memory_space<vmem>>) dst(%dma_wait3A_204 : memref<128x64xf32, #tpu.memory_space<hbm>>)
        } else {
        }
        %dma_start3A_190 = arith.constant 0 : i32
        %dma_start3A_191 = tpu.memref_slice %arg5[%add3A_141, %dma_start3A_190] : memref<50x128xi32, #tpu.memory_space<vmem>> -> memref<1x128xi32, #tpu.memory_space<vmem>>
        %dma_start3A_192 = tpu.memref_squeeze %dma_start3A_191 : memref<1x128xi32, #tpu.memory_space<vmem>> -> memref<128xi32, #tpu.memory_space<vmem>>
        %dma_start3A_193 = arith.constant 0 : i32
        %dma_start3A_194 = arith.constant 0 : i32
        %dma_start3A_195 = tpu.memref_slice %arg3[%dma_start3A_193, %dma_start3A_194] : memref<1015808x64xf32, #tpu.memory_space<hbm>> -> memref<1015808x64xf32, #tpu.memory_space<hbm>>
        tpu.enqueue_indirect_dma source(%dma_start3A_195 : memref<1015808x64xf32, #tpu.memory_space<hbm>>) target(%arg6 : memref<128x64xf32, #tpu.memory_space<vmem>>) offsets(%dma_start3A_192 : memref<128xi32, #tpu.memory_space<vmem>>) semaphore(%arg11 : memref<!tpu.dma_semaphore, #tpu.memory_space<semaphore_mem>>)
      } else {
      }
      %dma_wait3A_147 = arith.constant 0 : i32
      %dma_wait3A_148 = tpu.memref_slice %arg5[%add3A_139, %dma_wait3A_147] : memref<50x128xi32, #tpu.memory_space<vmem>> -> memref<1x128xi32, #tpu.memory_space<vmem>>
      %dma_wait3A_149 = tpu.memref_squeeze %dma_wait3A_148 : memref<1x128xi32, #tpu.memory_space<vmem>> -> memref<128xi32, #tpu.memory_space<vmem>>
      %dma_wait3A_150 = arith.constant 0 : i32
      %dma_wait3A_151 = arith.constant 0 : i32
      %dma_wait3A_152 = tpu.memref_slice %arg3[%dma_wait3A_150, %dma_wait3A_151] : memref<1015808x64xf32, #tpu.memory_space<hbm>> -> memref<1015808x64xf32, #tpu.memory_space<hbm>>
      tpu.wait_indirect_dma semaphore(%arg14 : memref<!tpu.dma_semaphore, #tpu.memory_space<semaphore_mem>>) src(%dma_wait3A_152 : memref<1015808x64xf32, #tpu.memory_space<hbm>>) dst(%arg9 : memref<128x64xf32, #tpu.memory_space<vmem>>)
      %dma_start3A_153 = arith.constant 0 : i32
      %dma_start3A_154 = arith.constant 0 : i32
      %dma_start3A_155 = tpu.memref_slice %arg4[%add3A, %add3A_139, %dma_start3A_153, %dma_start3A_154] : memref<32x50x128x64xf32, #tpu.memory_space<hbm>> -> memref<1x1x128x64xf32, #tpu.memory_space<hbm>>
      %dma_start3A_156 = tpu.memref_squeeze %dma_start3A_155 : memref<1x1x128x64xf32, #tpu.memory_space<hbm>> -> memref<128x64xf32, #tpu.memory_space<hbm>>
      %dma_start3A_157 = arith.constant 0 : i32
      %dma_start3A_158 = arith.constant 0 : i32
      %dma_start3A_159 = tpu.memref_slice %arg4[%add3A, %add3A_139, %dma_start3A_157, %dma_start3A_158] : memref<32x50x128x64xf32, #tpu.memory_space<hbm>> -> memref<1x1x128x64xf32, #tpu.memory_space<hbm>>
      %dma_start3A_160 = tpu.memref_squeeze %dma_start3A_159 : memref<1x1x128x64xf32, #tpu.memory_space<hbm>> -> memref<128x64xf32, #tpu.memory_space<hbm>>
      tpu.enqueue_dma source(%arg9 : memref<128x64xf32, #tpu.memory_space<vmem>>) target(%dma_start3A_160 : memref<128x64xf32, #tpu.memory_space<hbm>>) target_semaphore(%arg19 : memref<!tpu.dma_semaphore, #tpu.memory_space<semaphore_mem>>)
      %mul3A_161 = arith.constant 5 : i32
      %mul3A_162 = arith.muli %scan3A_63, %mul3A_161 : i32
      %add3A_163 = arith.constant 4 : i32
      %add3A_164 = arith.addi %mul3A_162, %add3A_163 : i32
      %add3A_165 = arith.constant 2 : i32
      %add3A_166 = arith.addi %add3A_164, %add3A_165 : i32
      %lt3A_167 = arith.constant 50 : i32
      %lt3A_168 = arith.cmpi slt, %add3A_166, %lt3A_167 : i32
      %convert_element_type3A_169 = arith.extui %lt3A_168 : i1 to i32
      %cond3A_170 = arith.constant 0 : i32
      %cond3A_171 = arith.cmpi ne, %convert_element_type3A_169, %cond3A_170 : i32
      scf.if %cond3A_171 {
        %ge3A = arith.constant 5 : i32
        %ge3A_186 = arith.cmpi sge, %add3A_166, %ge3A : i32
        %convert_element_type3A_187 = arith.extui %ge3A_186 : i1 to i32
        %cond3A_188 = arith.constant 0 : i32
        %cond3A_189 = arith.cmpi ne, %convert_element_type3A_187, %cond3A_188 : i32
        scf.if %cond3A_189 {
          %dma_wait3A_196 = arith.constant 0 : i32
          %dma_wait3A_197 = arith.constant 0 : i32
          %dma_wait3A_198 = arith.constant 0 : i32
          %dma_wait3A_199 = tpu.memref_slice %arg4[%add3A, %dma_wait3A_196, %dma_wait3A_197, %dma_wait3A_198] : memref<32x50x128x64xf32, #tpu.memory_space<hbm>> -> memref<1x1x128x64xf32, #tpu.memory_space<hbm>>
          %dma_wait3A_200 = tpu.memref_squeeze %dma_wait3A_199 : memref<1x1x128x64xf32, #tpu.memory_space<hbm>> -> memref<128x64xf32, #tpu.memory_space<hbm>>
          %dma_wait3A_201 = arith.constant 0 : i32
          %dma_wait3A_202 = arith.constant 0 : i32
          %dma_wait3A_203 = tpu.memref_slice %arg4[%add3A, %dma_wait3A_196, %dma_wait3A_201, %dma_wait3A_202] : memref<32x50x128x64xf32, #tpu.memory_space<hbm>> -> memref<1x1x128x64xf32, #tpu.memory_space<hbm>>
          %dma_wait3A_204 = tpu.memref_squeeze %dma_wait3A_203 : memref<1x1x128x64xf32, #tpu.memory_space<hbm>> -> memref<128x64xf32, #tpu.memory_space<hbm>>
          tpu.wait_dma2 semaphore(%arg17 : memref<!tpu.dma_semaphore, #tpu.memory_space<semaphore_mem>>) src(%arg7 : memref<128x64xf32, #tpu.memory_space<vmem>>) dst(%dma_wait3A_204 : memref<128x64xf32, #tpu.memory_space<hbm>>)
        } else {
        }
        %dma_start3A_190 = arith.constant 0 : i32
        %dma_start3A_191 = tpu.memref_slice %arg5[%add3A_166, %dma_start3A_190] : memref<50x128xi32, #tpu.memory_space<vmem>> -> memref<1x128xi32, #tpu.memory_space<vmem>>
        %dma_start3A_192 = tpu.memref_squeeze %dma_start3A_191 : memref<1x128xi32, #tpu.memory_space<vmem>> -> memref<128xi32, #tpu.memory_space<vmem>>
        %dma_start3A_193 = arith.constant 0 : i32
        %dma_start3A_194 = arith.constant 0 : i32
        %dma_start3A_195 = tpu.memref_slice %arg3[%dma_start3A_193, %dma_start3A_194] : memref<1015808x64xf32, #tpu.memory_space<hbm>> -> memref<1015808x64xf32, #tpu.memory_space<hbm>>
        tpu.enqueue_indirect_dma source(%dma_start3A_195 : memref<1015808x64xf32, #tpu.memory_space<hbm>>) target(%arg7 : memref<128x64xf32, #tpu.memory_space<vmem>>) offsets(%dma_start3A_192 : memref<128xi32, #tpu.memory_space<vmem>>) semaphore(%arg12 : memref<!tpu.dma_semaphore, #tpu.memory_space<semaphore_mem>>)
      } else {
      }
      %dma_wait3A_172 = arith.constant 0 : i32
      %dma_wait3A_173 = tpu.memref_slice %arg5[%add3A_164, %dma_wait3A_172] : memref<50x128xi32, #tpu.memory_space<vmem>> -> memref<1x128xi32, #tpu.memory_space<vmem>>
      %dma_wait3A_174 = tpu.memref_squeeze %dma_wait3A_173 : memref<1x128xi32, #tpu.memory_space<vmem>> -> memref<128xi32, #tpu.memory_space<vmem>>
      %dma_wait3A_175 = arith.constant 0 : i32
      %dma_wait3A_176 = arith.constant 0 : i32
      %dma_wait3A_177 = tpu.memref_slice %arg3[%dma_wait3A_175, %dma_wait3A_176] : memref<1015808x64xf32, #tpu.memory_space<hbm>> -> memref<1015808x64xf32, #tpu.memory_space<hbm>>
      tpu.wait_indirect_dma semaphore(%arg15 : memref<!tpu.dma_semaphore, #tpu.memory_space<semaphore_mem>>) src(%dma_wait3A_177 : memref<1015808x64xf32, #tpu.memory_space<hbm>>) dst(%arg10 : memref<128x64xf32, #tpu.memory_space<vmem>>)
      %dma_start3A_178 = arith.constant 0 : i32
      %dma_start3A_179 = arith.constant 0 : i32
      %dma_start3A_180 = tpu.memref_slice %arg4[%add3A, %add3A_164, %dma_start3A_178, %dma_start3A_179] : memref<32x50x128x64xf32, #tpu.memory_space<hbm>> -> memref<1x1x128x64xf32, #tpu.memory_space<hbm>>
      %dma_start3A_181 = tpu.memref_squeeze %dma_start3A_180 : memref<1x1x128x64xf32, #tpu.memory_space<hbm>> -> memref<128x64xf32, #tpu.memory_space<hbm>>
      %dma_start3A_182 = arith.constant 0 : i32
      %dma_start3A_183 = arith.constant 0 : i32
      %dma_start3A_184 = tpu.memref_slice %arg4[%add3A, %add3A_164, %dma_start3A_182, %dma_start3A_183] : memref<32x50x128x64xf32, #tpu.memory_space<hbm>> -> memref<1x1x128x64xf32, #tpu.memory_space<hbm>>
      %dma_start3A_185 = tpu.memref_squeeze %dma_start3A_184 : memref<1x1x128x64xf32, #tpu.memory_space<hbm>> -> memref<128x64xf32, #tpu.memory_space<hbm>>
      tpu.enqueue_dma source(%arg10 : memref<128x64xf32, #tpu.memory_space<vmem>>) target(%dma_start3A_185 : memref<128x64xf32, #tpu.memory_space<hbm>>) target_semaphore(%arg20 : memref<!tpu.dma_semaphore, #tpu.memory_space<semaphore_mem>>)
    }
    %scan3A_18 = arith.constant 10 : i32
    %dma_wait3A = arith.constant 0 : i32
    %dma_wait3A_19 = arith.constant 0 : i32
    %dma_wait3A_20 = arith.constant 0 : i32
    %dma_wait3A_21 = tpu.memref_slice %arg4[%add3A, %dma_wait3A, %dma_wait3A_19, %dma_wait3A_20] : memref<32x50x128x64xf32, #tpu.memory_space<hbm>> -> memref<1x1x128x64xf32, #tpu.memory_space<hbm>>
    %dma_wait3A_22 = tpu.memref_squeeze %dma_wait3A_21 : memref<1x1x128x64xf32, #tpu.memory_space<hbm>> -> memref<128x64xf32, #tpu.memory_space<hbm>>
    %dma_wait3A_23 = arith.constant 0 : i32
    %dma_wait3A_24 = arith.constant 0 : i32
    %dma_wait3A_25 = tpu.memref_slice %arg4[%add3A, %dma_wait3A, %dma_wait3A_23, %dma_wait3A_24] : memref<32x50x128x64xf32, #tpu.memory_space<hbm>> -> memref<1x1x128x64xf32, #tpu.memory_space<hbm>>
    %dma_wait3A_26 = tpu.memref_squeeze %dma_wait3A_25 : memref<1x1x128x64xf32, #tpu.memory_space<hbm>> -> memref<128x64xf32, #tpu.memory_space<hbm>>
    tpu.wait_dma2 semaphore(%arg16 : memref<!tpu.dma_semaphore, #tpu.memory_space<semaphore_mem>>) src(%arg6 : memref<128x64xf32, #tpu.memory_space<vmem>>) dst(%dma_wait3A_26 : memref<128x64xf32, #tpu.memory_space<hbm>>)
    %dma_wait3A_27 = arith.constant 0 : i32
    %dma_wait3A_28 = arith.constant 0 : i32
    %dma_wait3A_29 = arith.constant 0 : i32
    %dma_wait3A_30 = tpu.memref_slice %arg4[%add3A, %dma_wait3A_27, %dma_wait3A_28, %dma_wait3A_29] : memref<32x50x128x64xf32, #tpu.memory_space<hbm>> -> memref<1x1x128x64xf32, #tpu.memory_space<hbm>>
    %dma_wait3A_31 = tpu.memref_squeeze %dma_wait3A_30 : memref<1x1x128x64xf32, #tpu.memory_space<hbm>> -> memref<128x64xf32, #tpu.memory_space<hbm>>
    %dma_wait3A_32 = arith.constant 0 : i32
    %dma_wait3A_33 = arith.constant 0 : i32
    %dma_wait3A_34 = tpu.memref_slice %arg4[%add3A, %dma_wait3A_27, %dma_wait3A_32, %dma_wait3A_33] : memref<32x50x128x64xf32, #tpu.memory_space<hbm>> -> memref<1x1x128x64xf32, #tpu.memory_space<hbm>>
    %dma_wait3A_35 = tpu.memref_squeeze %dma_wait3A_34 : memref<1x1x128x64xf32, #tpu.memory_space<hbm>> -> memref<128x64xf32, #tpu.memory_space<hbm>>
    tpu.wait_dma2 semaphore(%arg17 : memref<!tpu.dma_semaphore, #tpu.memory_space<semaphore_mem>>) src(%arg7 : memref<128x64xf32, #tpu.memory_space<vmem>>) dst(%dma_wait3A_35 : memref<128x64xf32, #tpu.memory_space<hbm>>)
    %dma_wait3A_36 = arith.constant 0 : i32
    %dma_wait3A_37 = arith.constant 0 : i32
    %dma_wait3A_38 = arith.constant 0 : i32
    %dma_wait3A_39 = tpu.memref_slice %arg4[%add3A, %dma_wait3A_36, %dma_wait3A_37, %dma_wait3A_38] : memref<32x50x128x64xf32, #tpu.memory_space<hbm>> -> memref<1x1x128x64xf32, #tpu.memory_space<hbm>>
    %dma_wait3A_40 = tpu.memref_squeeze %dma_wait3A_39 : memref<1x1x128x64xf32, #tpu.memory_space<hbm>> -> memref<128x64xf32, #tpu.memory_space<hbm>>
    %dma_wait3A_41 = arith.constant 0 : i32
    %dma_wait3A_42 = arith.constant 0 : i32
    %dma_wait3A_43 = tpu.memref_slice %arg4[%add3A, %dma_wait3A_36, %dma_wait3A_41, %dma_wait3A_42] : memref<32x50x128x64xf32, #tpu.memory_space<hbm>> -> memref<1x1x128x64xf32, #tpu.memory_space<hbm>>
    %dma_wait3A_44 = tpu.memref_squeeze %dma_wait3A_43 : memref<1x1x128x64xf32, #tpu.memory_space<hbm>> -> memref<128x64xf32, #tpu.memory_space<hbm>>
    tpu.wait_dma2 semaphore(%arg18 : memref<!tpu.dma_semaphore, #tpu.memory_space<semaphore_mem>>) src(%arg8 : memref<128x64xf32, #tpu.memory_space<vmem>>) dst(%dma_wait3A_44 : memref<128x64xf32, #tpu.memory_space<hbm>>)
    %dma_wait3A_45 = arith.constant 0 : i32
    %dma_wait3A_46 = arith.constant 0 : i32
    %dma_wait3A_47 = arith.constant 0 : i32
    %dma_wait3A_48 = tpu.memref_slice %arg4[%add3A, %dma_wait3A_45, %dma_wait3A_46, %dma_wait3A_47] : memref<32x50x128x64xf32, #tpu.memory_space<hbm>> -> memref<1x1x128x64xf32, #tpu.memory_space<hbm>>
    %dma_wait3A_49 = tpu.memref_squeeze %dma_wait3A_48 : memref<1x1x128x64xf32, #tpu.memory_space<hbm>> -> memref<128x64xf32, #tpu.memory_space<hbm>>
    %dma_wait3A_50 = arith.constant 0 : i32
    %dma_wait3A_51 = arith.constant 0 : i32
    %dma_wait3A_52 = tpu.memref_slice %arg4[%add3A, %dma_wait3A_45, %dma_wait3A_50, %dma_wait3A_51] : memref<32x50x128x64xf32, #tpu.memory_space<hbm>> -> memref<1x1x128x64xf32, #tpu.memory_space<hbm>>
    %dma_wait3A_53 = tpu.memref_squeeze %dma_wait3A_52 : memref<1x1x128x64xf32, #tpu.memory_space<hbm>> -> memref<128x64xf32, #tpu.memory_space<hbm>>
    tpu.wait_dma2 semaphore(%arg19 : memref<!tpu.dma_semaphore, #tpu.memory_space<semaphore_mem>>) src(%arg9 : memref<128x64xf32, #tpu.memory_space<vmem>>) dst(%dma_wait3A_53 : memref<128x64xf32, #tpu.memory_space<hbm>>)
    %dma_wait3A_54 = arith.constant 0 : i32
    %dma_wait3A_55 = arith.constant 0 : i32
    %dma_wait3A_56 = arith.constant 0 : i32
    %dma_wait3A_57 = tpu.memref_slice %arg4[%add3A, %dma_wait3A_54, %dma_wait3A_55, %dma_wait3A_56] : memref<32x50x128x64xf32, #tpu.memory_space<hbm>> -> memref<1x1x128x64xf32, #tpu.memory_space<hbm>>
    %dma_wait3A_58 = tpu.memref_squeeze %dma_wait3A_57 : memref<1x1x128x64xf32, #tpu.memory_space<hbm>> -> memref<128x64xf32, #tpu.memory_space<hbm>>
    %dma_wait3A_59 = arith.constant 0 : i32
    %dma_wait3A_60 = arith.constant 0 : i32
    %dma_wait3A_61 = tpu.memref_slice %arg4[%add3A, %dma_wait3A_54, %dma_wait3A_59, %dma_wait3A_60] : memref<32x50x128x64xf32, #tpu.memory_space<hbm>> -> memref<1x1x128x64xf32, #tpu.memory_space<hbm>>
    %dma_wait3A_62 = tpu.memref_squeeze %dma_wait3A_61 : memref<1x1x128x64xf32, #tpu.memory_space<hbm>> -> memref<128x64xf32, #tpu.memory_space<hbm>>
    tpu.wait_dma2 semaphore(%arg20 : memref<!tpu.dma_semaphore, #tpu.memory_space<semaphore_mem>>) src(%arg10 : memref<128x64xf32, #tpu.memory_space<vmem>>) dst(%dma_wait3A_62 : memref<128x64xf32, #tpu.memory_space<hbm>>)
    return
  }
}

module attributes {stable_mosaic.version = 14 : i64} {
  func.func @body(%arg0: i32, %arg1: memref<64x8192xf32, #tpu.memory_space<vmem>>, %arg2: memref<64x8192xf32, #tpu.memory_space<vmem>>, %arg3: memref<8192x128xf32, #tpu.memory_space<vmem>>) attributes {dimension_semantics = [#tpu.dimension_semantics<arbitrary>], iteration_bounds = array<i64: 62>, scalar_prefetch = 0 : i64, scratch_operands = 0 : i64, tpu.core_type = #tpu.core_type<tc>, window_params = [{transform_indices = @transform_0, window_bounds = array<i64: 64, 8192>}, {transform_indices = @transform_1, window_bounds = array<i64: 64, 8192>}, {transform_indices = @transform_2, window_bounds = array<i64: 8192, 128>}]} {
    %get3A = arith.constant 0 : index
    %get3A_0 = arith.constant 0 : index
    %get3A_1 = vector.load %arg1[%get3A, %get3A_0] : memref<64x8192xf32, #tpu.memory_space<vmem>>, vector<64x8192xf32>
    %transpose3A = tpu.transpose %get3A_1, [1, 0] : vector<64x8192xf32> -> vector<8192x64xf32>
    %mul3A = arith.constant 8.000000e+00 : f32
    %mul3A_2 = vector.broadcast %mul3A : f32 to vector<8192x64xf32>
    %mul3A_3 = arith.mulf %transpose3A, %mul3A_2 : vector<8192x64xf32>
    %get3A_4 = arith.constant 0 : index
    %get3A_5 = arith.constant 0 : index
    %get3A_6 = vector.load %arg2[%get3A_4, %get3A_5] : memref<64x8192xf32, #tpu.memory_space<vmem>>, vector<64x8192xf32>
    %transpose3A_7 = tpu.transpose %get3A_6, [1, 0] : vector<64x8192xf32> -> vector<8192x64xf32>
    %mul3A_8 = arith.constant 8.000000e+00 : f32
    %mul3A_9 = vector.broadcast %mul3A_8 : f32 to vector<8192x64xf32>
    %mul3A_10 = arith.mulf %transpose3A_7, %mul3A_9 : vector<8192x64xf32>
    %concatenate3A = tpu.concatenate %mul3A_3, %mul3A_10 in 1 : vector<8192x64xf32>, vector<8192x64xf32> -> vector<8192x128xf32>
    %swap3A = arith.constant 0 : index
    %swap3A_11 = arith.constant 0 : index
    %swap3A_12 = vector.load %arg3[%swap3A, %swap3A_11] : memref<8192x128xf32, #tpu.memory_space<vmem>>, vector<8192x128xf32>
    tpu.vector_store %arg3[%swap3A, %swap3A_11], %concatenate3A {strides = array<i32>} : memref<8192x128xf32, #tpu.memory_space<vmem>>, vector<8192x128xf32>,
    return
  }
  func.func @transform_0(%arg0: i32) -> (i32, i32) {
    %mul3A = arith.constant 2 : i32
    %mul3A_0 = arith.muli %mul3A, %arg0 : i32
    %c0_i32 = arith.constant 0 : i32
    %c0_i32_1 = arith.constant 0 : i32
    return %c0_i32, %mul3A_0 : i32, i32
  }
  func.func @transform_1(%arg0: i32) -> (i32, i32) {
    %mul3A = arith.constant 2 : i32
    %mul3A_0 = arith.muli %mul3A, %arg0 : i32
    %add3A = arith.constant 1 : i32
    %add3A_1 = arith.addi %mul3A_0, %add3A : i32
    %min3A = arith.constant 122 : i32
    %min3A_2 = arith.minsi %add3A_1, %min3A : i32
    %c0_i32 = arith.constant 0 : i32
    %c0_i32_3 = arith.constant 0 : i32
    return %c0_i32, %min3A_2 : i32, i32
  }
  func.func @transform_2(%arg0: i32) -> (i32, i32) {
    %c0_i32 = arith.constant 0 : i32
    %c0_i32_0 = arith.constant 0 : i32
    return %arg0, %c0_i32 : i32, i32
  }
}

</mosaic_0001>

<sc_bundles>
// kernel: kernel.4.cloned.1.call-start
scs
__scs_entry_jumppad:
0x0: {  	(pc) =	sbr.rel $0x88, $3  }
0x1: {  	(tag) =	ssettag $0x0;
	lr =	simm.s32 $0x1  }
0x2: {  	[smem:$0x3F9F] =	sst lr;
	_ =	strace $0xD0000000  }
0x3: {  	_ = 	snop  }
0x4: {  	_ = 	snop  }
0x5: {  	_ = 	snop  }
0x6: {  	_ = 	snop  }
0x7: {  	_ = 	snop  }
__scs_overlays_trampoline_lowered:
0x8: {  	[smem:$0x3FAE] =	sst s0  }
0x9: {  	[smem:$0x3FAF] =	sst s1  }
0xa: {  	[smem:$0x3FB0] =	sst s2  }
0xb: {  	[smem:$0x3FB1] =	sst s3  }
0xc: {  	[smem:$0x3FB2] =	sst s4  }
0xd: {  	[smem:$0x3FB3] =	sst s5  }
0xe: {  	[smem:$0x3FB4] =	sst s6  }
0xf: {  	[smem:$0x3FB5] =	sst s7  }
0x10: {  	[smem:$0x3FB6] =	sst s8  }
0x11: {  	[smem:$0x3FB7] =	sst s9;
	s0 =	simm.s32 @!p0 $0x0  }
0x12: {  	s1 =	sld [smem:$0x3F9D];
	s0 =	simm.s32 @p0 $0x1  }
0x13: {  	[smem:$0x3FB8] =	sst s0;
	s0 =	simm.s32 @!p1 $0x0  }
0x14: {  	s2 =	sld [smem:$0x3F9C];
	s0 =	simm.s32 @p1 $0x1  }
0x15: {  	[smem:$0x3FB9] =	sst s0;
	s0 =	simm.s32 @!p2 $0x0  }
0x16: {  	s3 =	sld [smem:$0x3FDB];
	s0 =	simm.s32 @p2 $0x1  }
0x17: {  	s4 =	simm.s32 $0x1BF5;
	[smem:$0x3FBB] =	sst s0  }
0x18: {  	s0 =	sld [smem:$0x3F9E];
	_ =	swait.ge [sflag:s4], $0x0  }
0x19: {  	s7 =	sld [smem:$0x3F9F]  }
0x1a: {  	s8 =	sadd.s32 $0xFFFFE003, lr  }
0x1b: {  	s9 =	sadd.s32 $0xFFFFFEF7, lr;
	s5 =	simm.s32 $0xFFFFFFFF;
	p2 =	slt.u32 s8, $0xFFFFF086  }
0x1c: {  	p1 =	slt.u32 s9, $0xF7A;
	s5 =	simm.s32 @!p2 $0x0  }
0x1d: {  	s5 =	simm.s32 @p1 $0x1;
	p0 =	seq.s32 s7, s2  }
0x1e: {  	s7 =	smul.u32 @!p0 $0xF7A, s2;
	p2 =	seq.s32 @!p0 s5, $0x0  }
0x1f: {  	s9 =	smul.u32 $0xF7A, s1;
	s8 =	simm.s32 @!p0 $0x1BF5;
	p2 =	por !p2, p0  }
0x20: {  	[sflag:s8] =	ssyncset.s32 @!p0 $0xFFFFF086;
	s6 =	sadd.s32 @!p0 s3, s7;
	s7 =	simm.s32 @!p0 $0x108  }
0x21: {  	s3 =	sadd.s32 s3, s9;
	s6 =	sadd.s32 @!p0 $0x88, s6;
	s7 =	simm.s32 @p2 $0x1082  }
0x22: {  	[simem:s7], [sflag:s8] =	dma.local @!p0 [hbm:s6], $0xF7A  }
0x23: {  	s9 =	sor.u32 $0xD0000000, s2;
	s6 =	simm.s32 $0x108;
	_ =	swait.ge @!p0 [sflag:s8], $0x0  }
0x24: {  	s3 =	sadd.s32 $0x88, s3;
	s6 =	simm.s32 @!p1 $0x1082;
	[sflag:s4] =	ssyncset.s32 $0xFFFFF086  }
0x25: {  	[simem:s6], [sflag:s4] =	dma.local [hbm:s3], $0xF7A  }
0x26: {  	[smem:$0x3F9F] =	sst s1;
	(tag) =	ssettag s2;
	_ =	strace s9  }
0x27: {  	s1 =	sld [smem:$0x3FAF]  }
0x28: {  	s2 =	sld [smem:$0x3FB0]  }
0x29: {  	s4 =	sld [smem:$0x3FB2]  }
0x2a: {  	p0 =	seq.s32 s5, $0x0;
	s5 =	sld [smem:$0x3FB3]  }
0x2b: {  	s6 =	sld [smem:$0x3FB4]  }
0x2c: {  	s7 =	sld [smem:$0x3FB5]  }
0x2d: {  	s3 =	simm.s32 $0x108;
	s8 =	sld [smem:$0x3FB6]  }
0x2e: {  	s3 =	simm.s32 @!p0 $0x1082;
	s9 =	sld [smem:$0x3FB7]  }
0x2f: {  	lr =	sadd.s32 s0, s3;
	s0 =	sld [smem:$0x3FAE]  }
0x30: {  	s3 =	sld [smem:$0x3FB1]  }
0x31: {  	[smem:$0x3FBA] =	sst s10  }
0x32: {  	s10 =	sld [smem:$0x3FB8];
	_ =	sdelay $0x3  }
0x33: {  	p0 =	seq.s32 s10, $0x1;
	s10 =	sld [smem:$0x3FBA];
	_ =	sdelay $0x3  }
0x34: {  	[smem:$0x3FBA] =	sst s10  }
0x35: {  	s10 =	sld [smem:$0x3FB9];
	_ =	sdelay $0x3  }
0x36: {  	p1 =	seq.s32 s10, $0x1;
	s10 =	sld [smem:$0x3FBA];
	_ =	sdelay $0x3  }
0x37: {  	[smem:$0x3FBA] =	sst s10  }
0x38: {  	s10 =	sld [smem:$0x3FBB]  }
0x39: {  	_ = 	snop;
	(pc) =	sbr.ind lr, $3  }
0x3a: {  	_ = 	snop  }
0x3b: {  	_ = 	snop  }
0x3c: {  	p2 =	seq.s32 s10, $0x1;
	s10 =	sld [smem:$0x3FBA]  }
0x3d: {  	_ =	shalt  }
0x3e: {  	_ =	shalt  }
0x3f: {  	_ =	shalt  }
0x40: {  	_ =	shalt  }
0x41: {  	_ =	shalt  }
0x42: {  	_ =	shalt  }
0x43: {  	_ =	shalt  }
0x44: {  	_ =	shalt  }
0x45: {  	_ =	shalt  }
0x46: {  	_ =	shalt  }
0x47: {  	_ =	shalt  }
0x48: {  	_ =	shalt  }
0x49: {  	_ =	shalt  }
0x4a: {  	_ =	shalt  }
0x4b: {  	_ =	shalt  }
0x4c: {  	_ =	shalt  }
0x4d: {  	_ =	shalt  }
0x4e: {  	_ =	shalt  }
0x4f: {  	_ =	shalt  }
0x50: {  	_ =	shalt  }
0x51: {  	_ =	shalt  }
0x52: {  	_ =	shalt  }
0x53: {  	_ =	shalt  }
0x54: {  	_ =	shalt  }
0x55: {  	_ =	shalt  }
0x56: {  	_ =	shalt  }
0x57: {  	_ =	shalt  }
0x58: {  	_ =	shalt  }
0x59: {  	_ =	shalt  }
0x5a: {  	_ =	shalt  }
0x5b: {  	_ =	shalt  }
0x5c: {  	_ =	shalt  }
0x5d: {  	_ =	shalt  }
0x5e: {  	_ =	shalt  }
0x5f: {  	_ =	shalt  }
0x60: {  	_ =	shalt  }
0x61: {  	_ =	shalt  }
0x62: {  	_ =	shalt  }
0x63: {  	_ =	shalt  }
0x64: {  	_ =	shalt  }
0x65: {  	_ =	shalt  }
0x66: {  	_ =	shalt  }
0x67: {  	_ =	shalt  }
0x68: {  	_ =	shalt  }
0x69: {  	_ =	shalt  }
0x6a: {  	_ =	shalt  }
0x6b: {  	_ =	shalt  }
0x6c: {  	_ =	shalt  }
0x6d: {  	_ =	shalt  }
0x6e: {  	_ =	shalt  }
0x6f: {  	_ =	shalt  }
0x70: {  	_ =	shalt  }
0x71: {  	_ =	shalt  }
0x72: {  	_ =	shalt  }
0x73: {  	_ =	shalt  }
0x74: {  	_ =	shalt  }
0x75: {  	_ =	shalt  }
0x76: {  	_ =	shalt  }
0x77: {  	_ =	shalt  }
0x78: {  	_ =	shalt  }
0x79: {  	_ =	shalt  }
0x7a: {  	_ =	shalt  }
0x7b: {  	_ =	shalt  }
0x7c: {  	_ =	shalt  }
0x7d: {  	_ =	shalt  }
0x7e: {  	_ =	shalt  }
0x7f: {  	_ =	shalt  }
0x80: {  	_ =	shalt  }
0x81: {  	_ =	shalt  }
0x82: {  	_ =	shalt  }
0x83: {  	_ =	shalt  }
0x84: {  	_ =	shalt  }
0x85: {  	_ =	shalt  }
0x86: {  	_ =	shalt  }
0x87: {  	_ =	shalt  }
.Lfunc_end0:
.L_simem_size_0:
called_computation.1_lowered:
.L_overlay_start_0:
0x88: {  	s2 =	sld [smem:$0x3FD9]  }
0x89: {  	s3 =	sld [smem:$0x3FFE];
	_ =	sdelay $0x1  }
0x8a: {  	s1 =	srdreg.scid  }
0x8b: {  	s0 =	sand.u32 $0x1, s1  }
0x8c: {  	s17 =	sshll.u32 s0, $0xA;
	s2 =	sadd.s32 s3, s2  }
0x8d: {  	s2 =	sadd.s32 s2, s17  }
0x8e: {  	[smem:$0x3FC6] =	sst s2  }
0x8f: {  	_ = 	snop  }
0x90: {  	s2 =	sld [smem:$0x3FD0];
	(tm) =	ssettm $0x1  }
0x91: {  	s18 =	sld [smem:$0x3FFB];
	_ =	sdelay $0x3  }
0x92: {  	_ =	strace s18  }
0x93: {  	s3 =	sld [smem:$0x3FFC];
	_ =	sdelay $0x3  }
0x94: {  	_ =	strace s3  }
0x95: {  	s3 =	sld [smem:$0x3FFD];
	_ =	sdelay $0x3  }
0x96: {  	_ =	strace s3  }
0x97: {  	_ =	strace $0x8FFFFFFF  }
0x98: {  	s19 =	sld [smem:$0x3FDB];
	_ =	sdelay $0x1  }
0x99: {  	s4 =	simm.s32 $_scs_section_size  }
0x9a: {  	s5 =	simm.s32 $_size__tile_overlayer_lowered;
	s6 =	simm.s32 $_tile_overlayer_lowered  }
0x9b: {  	s22 =	simm.s32 $0x1BFF;
	s21 =	sshll.u32 s6, $0x1;
	s3 =	sadd.s32 s4, s19  }
0x9c: {  	s7 =	simm.s32 $0x0;
	s20 =	sshll.u32 s5, $0x1;
	s5 =	sadd.s32 s21, s3  }
0x9d: {  	[timem:s7], [sflag:s22] =	dma.local [hbm:s5], s20  }
0x9e: {  	_ =	swait.ge [sflag:s22], s20  }
0x9f: {  	s4 =	ssub.s32 $0x0, s20;
	[sflag:s22] =	ssyncset.done $0x0  }
0xa0: {  	[sflag:s22] =	ssyncadd.s32 s4;
	_ =	sdelay $0x1  }
0xa1: {  	s23 =	simm.s32 $0x1B8B  }
0xa2: {  	_ =	swait.ge [sflag:s23], $0x1  }
0xa3: {  	[sflag:s23] =	ssyncset.done $0x0  }
0xa4: {  	s25 =	simm.s32 $0x1B8E;
	s24 =	sld [smem:$0x3FFE];
	[sflag:s23] =	ssyncadd.s32 $0xFFFFFFFF  }
0xa5: {  	s26 =	simm.s32 $execute0_lowered;
	[smem:$0x3FD2] =	sst s25  }
0xa6: {  	s5 =	sshll.u32 s26, $0x1;
	_ =	strace $0x80000046;
	[dreg:$0x1] =	wrdreg $0xFFFFFFFF  }
0xa7: {  	s28 =	simm.s32 $_size_execute0_lowered;
	s3 =	sadd.s32 s3, s5;
	[dreg:$0x0] =	wrdreg $0x0  }
0xa8: {  	s5 =	sshll.u32 s28, $0x1;
	[dreg:$0x2] =	wrdreg s3  }
0xa9: {  	[dreg:$0x3] =	wrdreg s5  }
0xaa: {  	[dreg:$0x4] =	wrdreg $0xC0  }
0xab: {  	_ =	task [dreg:s7], $0x5FFFF  }
0xac: {  	[dreg:$0x1] =	wrdreg $0xFFFFFFFF  }
0xad: {  	[dreg:$0x0] =	wrdreg $0x60  }
0xae: {  	[dreg:$0x2] =	wrdreg s24  }
0xaf: {  	[dreg:$0x3] =	wrdreg s2  }
0xb0: {  	[dreg:$0x4] =	wrdreg $0x9  }
0xb1: {  	_ =	task.clear_ibuf [dreg:s7], $0x5FFFF;
	_ =	strace $0x90000046  }
0xb2: {  	s29 =	simm.s32 $0x9;
	_ =	strace $0x80000048  }
0xb3: {  	_ =	swait.ge [sflag:s29], $0x1  }
0xb4: {  	[sflag:s29] =	ssyncadd.s32 $0xFFFFFFFF  }
0xb5: {  	_ =	strace $0x90000048  }
0xb6: {  	_ =	sfence  }
0xb7: {  	s30 =	sld [smem:$0x0];
	_ =	sdelay $0x2  }
0xb8: {  	s31 =	sshll.u32 s1, $0xD;
	s1 =	sshrl.u32 s1, $0x2  }
0xb9: {  	s3 =	sand.u32 $0x4000, s31;
	s1 =	sadd.s32 s1, s30  }
0xba: {  	s0 =	sor.u32 s3, s0;
	s1 =	sshll.u32 s1, $0x11  }
0xbb: {  	s0 =	sor.u32 s1, s0  }
0xbc: {  	s0 =	sadd.s32 $0x8F2B, s0  }
0xbd: {  	[sflag:s0] =	ssyncadd.remote.s32 $0x1  }
0xbe: {  	_ =	sfence.sel $0xFFFF  }
0xbf: {  	[dreg:$0x0] =	wrdreg $0xFFFFFFFF;
	(pc) =	sbr.abs _section_cstart, $3  }
0xc0: {  	[dreg:$0x1] =	wrdreg $0xFFFFFFFF  }
0xc1: {  	_ =	task.clear_ibuf [dreg:s7], $0x2FFFF;
	_ =	strace $0x9FFFFFFF  }
0xc2: {  	(tm) =	ssettm $0x7FFFFFFF  }
0xc3: {  	_ =	shalt  }
tec
execute0_lowered:
.L_overlay_start_1:
0x0: {  	(tag) =	ssettag $0x1  }
0x1: {  	s0 =	srdreg.scid  }
0x2: {  	s5 =	stileid.u32;
	s3 =	rddreg [dreg:$0x0]  }
0x3: {  	s4 =	rddreg [dreg:$0x1];
	s2 =	simm.s32 $0x0;
	s12 =	simm.s32 $0x80  }
0x4: {  	s13 =	simm.s32 $0x1900;
	s14 =	simm.s32 $0x3900;
	s15 =	simm.s32 $0x5900  }
0x5: {  	s16 =	simm.s32 $0x1;
	s17 =	simm.s32 $0x7900;
	s18 =	simm.s32 $0x2  }
0x6: {  	s19 =	simm.s32 $0x9900;
	s20 =	simm.s32 $0x3;
	s21 =	simm.s32 $0x4  }
0x7: {  	s0 =	sand.u32 $0x1, s0;
	s1 =	sshll.u32 s5, $0x1;
	s5 =	smul.u32 $0xC8000, s5  }
0x8: {  	s22 =	simm.s32 $0x5;
	s1 =	sor.u32 s0, s1;
	s6 =	smul.u32 $0x64000, s0  }
0x9: {  	[smem:$0x7FF] =	sst s2;
	s0 =	ssub.s32 $0x2, s0;
	s1 =	smul.u32 $0x320, s1  }
0xa: {  	s29 =	simm.s32 $0x0;
	_ =	strace $0x80000047;
	s7 =	sshrl.u32 s0, $0x1  }
0xb: {  	s5 =	sadd.s32 s6, s5;
	s0 =	ssub.s32 s0, s7;
	s1 =	sadd.s32 s1, s3  }
0xc: {  	s3 =	sadd.s32 $0x6C00, s3;
	s6 =	sor.u32 $0x2000, s5;
	s25 =	sshrl.u32 s5, $0x3  }
0xd: {  	s0 =	smax.u32 s0, $0x1;
	s30 =	sadd.s32 $0x8000, s5;
	s31 =	sadd.s32 $0x6000, s5  }
0xe: {  	s5 =	sadd.s32 $0x4000, s5;
	s1 =	sadd.s32 $0x800, s1;
	s24 =	sshrl.u32 s6, $0x3  }
0xf: {  	[dreg:$0x4] =	wrdreg s0;
	s28 =	sadd.s32 s25, s4;
	s0 =	sshrl.u32 s30, $0x3  }
0x10: {  	s5 =	sshrl.u32 s5, $0x3;
	[dreg:$0x3] =	wrdreg s1;
	s26 =	sadd.s32 s24, s4  }
0x11: {  	[dreg:$0x6] =	wrdreg s28;
	s1 =	sshrl.u32 s31, $0x3;
	s23 =	sadd.s32 s0, s4  }
0x12: {  	s10 =	sadd.s32 s5, s4;
	[dreg:$0x5] =	wrdreg s26;
	s9 =	sadd.s32 s1, s4  }
.LBB2_1:
0x13: {  	s0 =	rddreg [dreg:$0x3];
	s25 =	simm.s32 $0xB  }
0x14: {  	[tilespmem:s2], [sflag:$0xB] =	stream.linear.gather [hbm4b:s0+s2], $0x1900, $0x38;
	[tilespmem:$0xB900] =	vst v63  }
0x15: {  	_ =	swait.ge [sflag:s25], $0x1900  }
0x16: {  	[sflag:s25] =	ssyncset.done $0x0  }
0x17: {  	p0 =	por $0x1, $0x1;
	[sflag:s25] =	ssyncadd.s32 $0xFFFFE700  }
0x18: {  	[tilespmem:s13], [sflag:$0x1] =	stream.indirect.gather [hbm4b:s3+s12], $0x40, s2, s12, $0xb8;
	[tilespmem:$0xB900] =	vst v63  }
0x19: {  	s0 =	simm.s32 @!p0 $0x8  }
0x1a: {  	[tilespmem:s14], [sflag:$0x2] =	stream.indirect.gather [hbm4b:s3+s12], $0x40, s12, s12, $0xb8;
	[tilespmem:$0xB900] =	vst v63  }
0x1b: {  	_ =	swait.ge @!p0 [sflag:s0], $0x2000  }
0x1c: {  	[sflag:s0] =	ssyncset.done @!p0 $0x0  }
0x1d: {  	s1 =	simm.s32 $0x100;
	[sflag:s0] =	ssyncadd.s32 @!p0 $0xFFFFE000  }
0x1e: {  	[tilespmem:s15], [sflag:$0x3] =	stream.indirect.gather [hbm4b:s3+s12], $0x40, s1, s12, $0xb8;
	[tilespmem:$0xB900] =	vst v63  }
0x1f: {  	_ =	swait.ge [sflag:s16], $0x2000  }
0x20: {  	[sflag:s16] =	ssyncset.done $0x0  }
0x21: {  	s0 =	simm.s32 @!p0 $0x9;
	s7 =	rddreg [dreg:$0x6];
	[sflag:s16] =	ssyncadd.s32 $0xFFFFE000  }
0x22: {  	[hbm4b:s7+s2] =	stream.linear.scatter [tilespmem:s13], [sflag:$0x6], $0x2000, $0x38;
	[tilespmem:$0xB900] =	vst v63  }
0x23: {  	_ =	swait.ge @!p0 [sflag:s0], $0x2000  }
0x24: {  	[sflag:s0] =	ssyncset.done @!p0 $0x0  }
0x25: {  	s26 =	simm.s32 $0x180;
	[sflag:s0] =	ssyncadd.s32 @!p0 $0xFFFFE000  }
0x26: {  	[tilespmem:s17], [sflag:$0x4] =	stream.indirect.gather [hbm4b:s3+s12], $0x40, s26, s12, $0xb8;
	[tilespmem:$0xB900] =	vst v63  }
0x27: {  	_ =	swait.ge [sflag:s18], $0x2000  }
0x28: {  	[sflag:s18] =	ssyncset.done $0x0  }
0x29: {  	s0 =	simm.s32 @!p0 $0xA;
	s6 =	rddreg [dreg:$0x5];
	[sflag:s18] =	ssyncadd.s32 $0xFFFFE000  }
0x2a: {  	[hbm4b:s6+s2] =	stream.linear.scatter [tilespmem:s14], [sflag:$0x7], $0x2000, $0x38;
	[tilespmem:$0xB900] =	vst v63  }
0x2b: {  	_ =	swait.ge @!p0 [sflag:s0], $0x2000  }
0x2c: {  	[sflag:s0] =	ssyncset.done @!p0 $0x0  }
0x2d: {  	s28 =	simm.s32 $0x200;
	[sflag:s0] =	ssyncadd.s32 @!p0 $0xFFFFE000  }
0x2e: {  	[tilespmem:s19], [sflag:$0x5] =	stream.indirect.gather [hbm4b:s3+s12], $0x40, s28, s12, $0xb8;
	[tilespmem:$0xB900] =	vst v63  }
0x2f: {  	_ =	swait.ge [sflag:s20], $0x2000  }
0x30: {  	p0 =	por $0x0, $0x0;
	[sflag:s20] =	ssyncset.done $0x0  }
0x31: {  	s0 =	simm.s32 @!p0 $0x6;
	[sflag:s20] =	ssyncadd.s32 $0xFFFFE000  }
0x32: {  	[hbm4b:s10+s2] =	stream.linear.scatter [tilespmem:s15], [sflag:$0x8], $0x2000, $0x38;
	[tilespmem:$0xB900] =	vst v63  }
0x33: {  	_ =	swait.ge @!p0 [sflag:s0], $0x2000  }
0x34: {  	s1 =	simm.s32 @!p0 $0x280;
	[sflag:s0] =	ssyncset.done @!p0 $0x0  }
0x35: {  	s4 =	simm.s32 @!p0 $0x80;
	s5 =	simm.s32 @!p0 $0x1900;
	[sflag:s0] =	ssyncadd.s32 @!p0 $0xFFFFE000  }
0x36: {  	[tilespmem:s5], [sflag:$0x1] =	stream.indirect.gather @!p0 [hbm4b:s3+s4], $0x40, s1, s4, $0xb8;
	[tilespmem:$0xB900] =	vst v63  }
0x37: {  	_ =	swait.ge [sflag:s21], $0x2000  }
0x38: {  	s11 =	simm.s32 $0x1400;
	s31 =	sadd.s32 $0x1400, s9;
	[sflag:s21] =	ssyncset.done $0x0  }
0x39: {  	s30 =	sadd.s32 $0x1400, s23;
	s5 =	simm.s32 @!p0 $0x7;
	[sflag:s21] =	ssyncadd.s32 $0xFFFFE000  }
0x3a: {  	[hbm4b:s9+s2] =	stream.linear.scatter [tilespmem:s17], [sflag:$0x9], $0x2000, $0x38;
	[tilespmem:$0xB900] =	vst v63  }
0x3b: {  	p1 =	por $0x0, $0x0;
	s8 =	simm.s32 @!p0 $0x300;
	_ =	swait.ge @!p0 [sflag:s5], $0x2000  }
0x3c: {  	s24 =	simm.s32 @!p0 $0x3900;
	s0 =	simm.s32 $0xA00;
	[sflag:s5] =	ssyncset.done @!p0 $0x0  }
0x3d: {  	s1 =	sadd.s32 $0x1400, s10;
	[sflag:s5] =	ssyncadd.s32 @!p0 $0xFFFFE000;
	s5 =	sadd.s32 $0x1400, s7  }
0x3e: {  	[tilespmem:s24], [sflag:$0x2] =	stream.indirect.gather @!p0 [hbm4b:s3+s4], $0x40, s8, s4, $0xb8;
	[tilespmem:$0xB900] =	vst v63  }
0x3f: {  	s4 =	sadd.s32 $0x1400, s6;
	s8 =	smov.u32 s23;
	_ =	swait.ge [sflag:s22], $0x2000  }
.LBB2_2:
0x40: {  	s25 =	simm.s32 @!p1 $0x8  }
0x41: {  	[sflag:s22] =	ssyncset.done $0x0;
	s24 =	smov.u32 s11;
	s11 =	sadd.s32 $0xA00, s11  }
0x42: {  	p0 =	sne.s32 s11, $0x6400;
	[sflag:s22] =	ssyncadd.s32 $0xFFFFE000  }
0x43: {  	[hbm4b:s8+s2] =	stream.linear.scatter [tilespmem:s19], [sflag:$0xA], $0x2000, $0x38;
	[tilespmem:$0xB900] =	vst v63  }
0x44: {  	s26 =	sshra.s32 s0, $0x2;
	s8 =	smov.u32 s30;
	_ =	swait.ge @!p1 [sflag:s25], $0x2000  }
0x45: {  	s28 =	sadd.s32 $0x100, s26;
	[sflag:s25] =	ssyncset.done @!p1 $0x0  }
0x46: {  	[sflag:s25] =	ssyncadd.s32 @!p1 $0xFFFFE000  }
0x47: {  	[tilespmem:s15], [sflag:$0x3] =	stream.indirect.gather [hbm4b:s3+s12], $0x40, s28, s12, $0xb8;
	[tilespmem:$0xB900] =	vst v63  }
0x48: {  	_ =	swait.ge [sflag:s16], $0x2000  }
0x49: {  	s25 =	simm.s32 @!p1 $0x9;
	[sflag:s16] =	ssyncset.done $0x0  }
0x4a: {  	[sflag:s16] =	ssyncadd.s32 $0xFFFFE000  }
0x4b: {  	[hbm4b:s5+s2] =	stream.linear.scatter [tilespmem:s13], [sflag:$0x6], $0x2000, $0x38;
	[tilespmem:$0xB900] =	vst v63  }
0x4c: {  	_ =	swait.ge @!p1 [sflag:s25], $0x2000  }
0x4d: {  	s28 =	sadd.s32 $0x180, s26;
	[sflag:s25] =	ssyncset.done @!p1 $0x0  }
0x4e: {  	[sflag:s25] =	ssyncadd.s32 @!p1 $0xFFFFE000  }
0x4f: {  	[tilespmem:s17], [sflag:$0x4] =	stream.indirect.gather [hbm4b:s3+s12], $0x40, s28, s12, $0xb8;
	[tilespmem:$0xB900] =	vst v63  }
0x50: {  	_ =	swait.ge [sflag:s18], $0x2000  }
0x51: {  	s25 =	simm.s32 @!p1 $0xA;
	[sflag:s18] =	ssyncset.done $0x0  }
0x52: {  	[sflag:s18] =	ssyncadd.s32 $0xFFFFE000  }
0x53: {  	[hbm4b:s4+s2] =	stream.linear.scatter [tilespmem:s14], [sflag:$0x7], $0x2000, $0x38;
	[tilespmem:$0xB900] =	vst v63  }
0x54: {  	_ =	swait.ge @!p1 [sflag:s25], $0x2000  }
0x55: {  	s26 =	sadd.s32 $0x200, s26;
	[sflag:s25] =	ssyncset.done @!p1 $0x0  }
0x56: {  	[sflag:s25] =	ssyncadd.s32 @!p1 $0xFFFFE000  }
0x57: {  	[tilespmem:s19], [sflag:$0x5] =	stream.indirect.gather [hbm4b:s3+s12], $0x40, s26, s12, $0xb8;
	[tilespmem:$0xB900] =	vst v63  }
0x58: {  	_ =	swait.ge [sflag:s20], $0x2000  }
0x59: {  	p1 =	seq.s32 s0, $0x5A00;
	[sflag:s20] =	ssyncset.done $0x0  }
0x5a: {  	s25 =	simm.s32 @!p1 $0x6;
	s0 =	sshra.s32 @!p1 s0, $0x2;
	[sflag:s20] =	ssyncadd.s32 $0xFFFFE000  }
0x5b: {  	[hbm4b:s1+s2] =	stream.linear.scatter [tilespmem:s15], [sflag:$0x8], $0x2000, $0x38;
	[tilespmem:$0xB900] =	vst v63  }
0x5c: {  	s26 =	sadd.s32 @!p1 $0x280, s0;
	s28 =	sadd.s32 @!p1 $0x300, s0;
	_ =	swait.ge @!p1 [sflag:s25], $0x2000  }
0x5d: {  	s6 =	simm.s32 @!p1 $0x80;
	s7 =	simm.s32 @!p1 $0x1900;
	[sflag:s25] =	ssyncset.done @!p1 $0x0  }
0x5e: {  	s0 =	smov.u32 s24;
	[sflag:s25] =	ssyncadd.s32 @!p1 $0xFFFFE000  }
0x5f: {  	[tilespmem:s7], [sflag:$0x1] =	stream.indirect.gather @!p1 [hbm4b:s3+s6], $0x40, s26, s6, $0xb8;
	[tilespmem:$0xB900] =	vst v63  }
0x60: {  	_ =	swait.ge [sflag:s21], $0x2000  }
0x61: {  	[sflag:s21] =	ssyncset.done $0x0  }
0x62: {  	s7 =	simm.s32 @!p1 $0x7;
	[sflag:s21] =	ssyncadd.s32 $0xFFFFE000  }
0x63: {  	[hbm4b:s31+s2] =	stream.linear.scatter [tilespmem:s17], [sflag:$0x9], $0x2000, $0x38;
	[tilespmem:$0xB900] =	vst v63  }
.Ltmp0:
0x64: {  	s1 =	sadd.s32 $0x1400, s1;
	_ =	swait.ge @!p1 [sflag:s7], $0x2000;
	(pc) =	sbr.rel @p0 .LBB2_2-.Ltmp0, $4  }
0x65: {  	s24 =	simm.s32 @!p1 $0x3900;
	s31 =	sadd.s32 $0x1400, s31;
	[sflag:s7] =	ssyncset.done @!p1 $0x0  }
0x66: {  	s30 =	sadd.s32 $0x1400, s30;
	s5 =	sadd.s32 $0x1400, s5;
	[sflag:s7] =	ssyncadd.s32 @!p1 $0xFFFFE000  }
0x67: {  	[tilespmem:s24], [sflag:$0x2] =	stream.indirect.gather @!p1 [hbm4b:s3+s6], $0x40, s28, s6, $0xb8;
	[tilespmem:$0xB900] =	vst v63  }
0x68: {  	s4 =	sadd.s32 $0x1400, s4;
	p1 =	seq.s32 s0, $0x0;
	_ =	swait.ge [sflag:s22], $0x2000  }
0x69: {  	[sflag:s22] =	ssyncset.done $0x0  }
0x6a: {  	s6 =	simm.s32 @!p1 $0x8;
	[sflag:s22] =	ssyncadd.s32 $0xFFFFE000  }
0x6b: {  	[hbm4b:s8+s2] =	stream.linear.scatter [tilespmem:s19], [sflag:$0xA], $0x2000, $0x38;
	[tilespmem:$0xB900] =	vst v63  }
0x6c: {  	_ =	swait.ge @!p1 [sflag:s6], $0x2000  }
0x6d: {  	s7 =	sshra.s32 s0, $0x2;
	[sflag:s6] =	ssyncset.done @!p1 $0x0  }
0x6e: {  	s28 =	sadd.s32 $0x100, s7;
	[sflag:s6] =	ssyncadd.s32 @!p1 $0xFFFFE000  }
0x6f: {  	[tilespmem:s15], [sflag:$0x3] =	stream.indirect.gather [hbm4b:s3+s12], $0x40, s28, s12, $0xb8;
	[tilespmem:$0xB900] =	vst v63  }
0x70: {  	_ =	swait.ge [sflag:s16], $0x2000  }
0x71: {  	[sflag:s16] =	ssyncset.done $0x0  }
0x72: {  	[sflag:s16] =	ssyncadd.s32 $0xFFFFE000  }
0x73: {  	[hbm4b:s5+s2] =	stream.linear.scatter [tilespmem:s13], [sflag:$0x6], $0x2000, $0x38;
	[tilespmem:$0xB900] =	vst v63  }
0x74: {  	s5 =	simm.s32 @!p1 $0x9  }
0x75: {  	_ =	swait.ge @!p1 [sflag:s5], $0x2000  }
0x76: {  	[sflag:s5] =	ssyncset.done @!p1 $0x0  }
0x77: {  	s8 =	sadd.s32 $0x180, s7;
	[sflag:s5] =	ssyncadd.s32 @!p1 $0xFFFFE000  }
0x78: {  	[tilespmem:s17], [sflag:$0x4] =	stream.indirect.gather [hbm4b:s3+s12], $0x40, s8, s12, $0xb8;
	[tilespmem:$0xB900] =	vst v63  }
0x79: {  	_ =	swait.ge [sflag:s18], $0x2000  }
0x7a: {  	[sflag:s18] =	ssyncset.done $0x0  }
0x7b: {  	[sflag:s18] =	ssyncadd.s32 $0xFFFFE000  }
0x7c: {  	[hbm4b:s4+s2] =	stream.linear.scatter [tilespmem:s14], [sflag:$0x7], $0x2000, $0x38;
	[tilespmem:$0xB900] =	vst v63  }
0x7d: {  	s4 =	simm.s32 @!p1 $0xA  }
0x7e: {  	_ =	swait.ge @!p1 [sflag:s4], $0x2000  }
0x7f: {  	[sflag:s4] =	ssyncset.done @!p1 $0x0  }
0x80: {  	s11 =	sadd.s32 $0x200, s7;
	[sflag:s4] =	ssyncadd.s32 @!p1 $0xFFFFE000  }
0x81: {  	[tilespmem:s19], [sflag:$0x5] =	stream.indirect.gather [hbm4b:s3+s12], $0x40, s11, s12, $0xb8;
	[tilespmem:$0xB900] =	vst v63  }
0x82: {  	_ =	swait.ge [sflag:s20], $0x2000  }
0x83: {  	p0 =	seq.s32 s0, $0x5A00;
	[sflag:s20] =	ssyncset.done $0x0  }
0x84: {  	s4 =	simm.s32 @!p0 $0x6;
	[sflag:s20] =	ssyncadd.s32 $0xFFFFE000  }
0x85: {  	[hbm4b:s1+s2] =	stream.linear.scatter [tilespmem:s15], [sflag:$0x8], $0x2000, $0x38;
	[tilespmem:$0xB900] =	vst v63  }
0x86: {  	_ =	swait.ge @!p0 [sflag:s4], $0x2000  }
0x87: {  	s0 =	sshra.s32 @!p0 s0, $0x2;
	s5 =	simm.s32 @!p0 $0x80;
	[sflag:s4] =	ssyncset.done @!p0 $0x0  }
0x88: {  	s1 =	sadd.s32 @!p0 $0x280, s0;
	[sflag:s4] =	ssyncadd.s32 @!p0 $0xFFFFE000;
	s4 =	simm.s32 @!p0 $0x1900  }
0x89: {  	[tilespmem:s4], [sflag:$0x1] =	stream.indirect.gather @!p0 [hbm4b:s3+s5], $0x40, s1, s5, $0xb8;
	[tilespmem:$0xB900] =	vst v63  }
0x8a: {  	_ =	swait.ge [sflag:s21], $0x2000  }
0x8b: {  	[sflag:s21] =	ssyncset.done $0x0  }
0x8c: {  	s1 =	simm.s32 @!p0 $0x7;
	[sflag:s21] =	ssyncadd.s32 $0xFFFFE000  }
0x8d: {  	[hbm4b:s31+s2] =	stream.linear.scatter [tilespmem:s17], [sflag:$0x9], $0x2000, $0x38;
	[tilespmem:$0xB900] =	vst v63  }
0x8e: {  	_ =	swait.ge @!p0 [sflag:s1], $0x2000  }
0x8f: {  	[sflag:s1] =	ssyncset.done @!p0 $0x0  }
0x90: {  	s0 =	sadd.s32 @!p0 $0x300, s0;
	[sflag:s1] =	ssyncadd.s32 @!p0 $0xFFFFE000;
	s1 =	simm.s32 @!p0 $0x3900  }
0x91: {  	[tilespmem:s1], [sflag:$0x2] =	stream.indirect.gather @!p0 [hbm4b:s3+s5], $0x40, s0, s5, $0xb8;
	[tilespmem:$0xB900] =	vst v63  }
0x92: {  	_ =	swait.ge [sflag:s22], $0x2000  }
0x93: {  	[sflag:s22] =	ssyncset.done $0x0  }
0x94: {  	s24 =	simm.s32 $0x6;
	[sflag:s22] =	ssyncadd.s32 $0xFFFFE000  }
0x95: {  	[hbm4b:s30+s2] =	stream.linear.scatter [tilespmem:s19], [sflag:$0xA], $0x2000, $0x38;
	[tilespmem:$0xB900] =	vst v63  }
0x96: {  	_ =	swait.ge [sflag:s24], $0x2000  }
0x97: {  	[sflag:s24] =	ssyncset.done $0x0  }
0x98: {  	s25 =	simm.s32 $0x7;
	[sflag:s24] =	ssyncadd.s32 $0xFFFFE000  }
0x99: {  	_ =	swait.ge [sflag:s25], $0x2000  }
0x9a: {  	[sflag:s25] =	ssyncset.done $0x0  }
0x9b: {  	s26 =	simm.s32 $0x8;
	[sflag:s25] =	ssyncadd.s32 $0xFFFFE000  }
0x9c: {  	_ =	swait.ge [sflag:s26], $0x2000  }
0x9d: {  	[sflag:s26] =	ssyncset.done $0x0  }
0x9e: {  	s28 =	simm.s32 $0x9;
	[sflag:s26] =	ssyncadd.s32 $0xFFFFE000  }
0x9f: {  	_ =	swait.ge [sflag:s28], $0x2000  }
0xa0: {  	[sflag:s28] =	ssyncset.done $0x0  }
0xa1: {  	s30 =	simm.s32 $0xA;
	[sflag:s28] =	ssyncadd.s32 $0xFFFFE000  }
0xa2: {  	_ =	swait.ge [sflag:s30], $0x2000  }
0xa3: {  	s29 =	sadd.s32 $0x1, s29;
	s31 =	rddreg [dreg:$0x4]  }
0xa4: {  	p0 =	sne.s32 s29, s31  }
.Ltmp1:
0xa5: {  	_ = 	snop;
	(pc) =	sbr.rel @p0 .LBB2_1-.Ltmp1, $3  }
0xa6: {  	_ =	sdelay $0x1  }
0xa7: {  	[sflag:s30] =	ssyncset.done $0x0  }
0xa8: {  	[sflag:s30] =	ssyncadd.s32 $0xFFFFE000  }
0xa9: {  	_ =	sfence.sel $0x180000  }
0xaa: {  	[bflag:$0x0] =	sbarrier.arrive $0xFFFF  }
0xab: {  	_ =	strace $0x90000047  }
0xac: {  	s0 =	stileid.u32;
	[bflag:$0x2] =	sbarrier.arrive $0xFFFF  }
0xad: {  	p0 =	sne.s32 s0, $0x0;
	s0 =	rddreg [dreg:$0x2]  }
0xae: {  	s0 =	sadd.s32 @!p0 $0x100000, s0  }
0xaf: {  	[sflag:s0] =	ssyncadd.tile.s32 @!p0 $0x1;
	_ =	shalt  }
.Lfunc_end2:
_tile_overlayer_lowered:
.L_overlay_start_2:
0xb0: {  	(tag) =	ssettag $0x2  }
0xb1: {  	s0 =	rddreg [dreg:$0x0];
	s2 =	stileid.u32  }
0xb2: {  	s1 =	rddreg [dreg:$0x1];
	p0 =	sne.s32 s2, $0x0  }
0xb3: {  	s3 =	rddreg [dreg:$0x2];
	[bflag:$0x3] =	sbarrier.arrive $0xFFFF;
	s2 =	simm.s32 @!p0 $0x1C0B  }
0xb4: {  	[timem:s3], [sflag:s2] =	dma.local @!p0 [hbm:s0], s1  }
0xb5: {  	s0 =	simm.s32 @!p0 $0xB  }
0xb6: {  	_ =	swait.ge @!p0 [sflag:s0], s1  }
0xb7: {  	s1 =	ssub.s32 @!p0 $0x0, s1;
	[sflag:s0] =	ssyncset.done @!p0 $0x0  }
0xb8: {  	[sflag:s0] =	ssyncadd.s32 @!p0 s1  }
0xb9: {  	[bflag:$0x3] =	sbarrier.arrive $0xFFFF  }
0xba: {  	_ =	shalt  }

// kernel: sparse-core-data-format-call.cloned.1.call-start
scs
called_computation_lowered:
.L_overlay_start_0:
0x0: {  	s2 =	sld [smem:$0x3FD9]  }
0x1: {  	s3 =	sld [smem:$0x3FFE];
	_ =	sdelay $0x1  }
0x2: {  	s1 =	srdreg.scid  }
0x3: {  	s0 =	sand.u32 $0x1, s1  }
0x4: {  	s18 =	sshll.u32 s0, $0xA;
	s2 =	sadd.s32 s3, s2  }
0x5: {  	s2 =	sadd.s32 s2, s18  }
0x6: {  	[smem:$0x3FC6] =	sst s2  }
0x7: {  	_ = 	snop  }
0x8: {  	s2 =	sld [smem:$0x3FD0];
	(tm) =	ssettm $0x1  }
0x9: {  	s19 =	sld [smem:$0x3FFB];
	_ =	sdelay $0x3  }
0xa: {  	_ =	strace s19  }
0xb: {  	s3 =	sld [smem:$0x3FFC];
	_ =	sdelay $0x3  }
0xc: {  	_ =	strace s3  }
0xd: {  	s3 =	sld [smem:$0x3FFD];
	_ =	sdelay $0x3  }
0xe: {  	_ =	strace s3  }
0xf: {  	_ =	strace $0x8FFFFFFF  }
0x10: {  	s20 =	sld [smem:$0x3FDB];
	_ =	sdelay $0x1  }
0x11: {  	s4 =	simm.s32 $_scs_section_size  }
0x12: {  	s5 =	simm.s32 $_size__tile_overlayer_lowered;
	s6 =	simm.s32 $_tile_overlayer_lowered  }
0x13: {  	s23 =	simm.s32 $0x1BFF;
	s22 =	sshll.u32 s6, $0x1;
	s3 =	sadd.s32 s4, s20  }
0x14: {  	s7 =	simm.s32 $0x0;
	s21 =	sshll.u32 s5, $0x1;
	s5 =	sadd.s32 s22, s3  }
0x15: {  	[timem:s7], [sflag:s23] =	dma.local [hbm:s5], s21  }
0x16: {  	_ =	swait.ge [sflag:s23], s21  }
0x17: {  	s4 =	ssub.s32 $0x0, s21;
	[sflag:s23] =	ssyncset.done $0x0  }
0x18: {  	[sflag:s23] =	ssyncadd.s32 s4;
	_ =	sdelay $0x1  }
0x19: {  	s24 =	simm.s32 $0x1B8B  }
0x1a: {  	_ =	swait.ge [sflag:s24], $0x1  }
0x1b: {  	[sflag:s24] =	ssyncset.done $0x0  }
0x1c: {  	s26 =	simm.s32 $0x1B8E;
	s25 =	sld [smem:$0x3FFE];
	[sflag:s24] =	ssyncadd.s32 $0xFFFFFFFF  }
0x1d: {  	s27 =	simm.s32 $execute0_lowered;
	[smem:$0x3FD2] =	sst s26  }
0x1e: {  	s5 =	sshll.u32 s27, $0x1;
	_ =	strace $0x80000049;
	[dreg:$0x1] =	wrdreg $0xFFFFFFFF  }
0x1f: {  	s28 =	simm.s32 $_size_execute0_lowered;
	s3 =	sadd.s32 s3, s5;
	[dreg:$0x0] =	wrdreg $0x0  }
0x20: {  	s5 =	sshll.u32 s28, $0x1;
	[dreg:$0x2] =	wrdreg s3  }
0x21: {  	[dreg:$0x3] =	wrdreg s5  }
0x22: {  	[dreg:$0x4] =	wrdreg $0xC0  }
0x23: {  	_ =	task [dreg:s7], $0x5FFFF  }
0x24: {  	[dreg:$0x1] =	wrdreg $0xFFFFFFFF  }
0x25: {  	[dreg:$0x0] =	wrdreg $0x60  }
0x26: {  	[dreg:$0x2] =	wrdreg s25  }
0x27: {  	[dreg:$0x3] =	wrdreg s2  }
0x28: {  	[dreg:$0x4] =	wrdreg $0x9  }
0x29: {  	_ =	task.clear_ibuf [dreg:s7], $0x5FFFF;
	_ =	strace $0x90000049  }
0x2a: {  	s29 =	simm.s32 $0x9;
	_ =	strace $0x8000004B  }
0x2b: {  	_ =	swait.ge [sflag:s29], $0x1  }
0x2c: {  	[sflag:s29] =	ssyncadd.s32 $0xFFFFFFFF  }
0x2d: {  	_ =	strace $0x9000004B  }
0x2e: {  	_ =	sfence  }
0x2f: {  	s30 =	sld [smem:$0x0];
	_ =	sdelay $0x2  }
0x30: {  	s31 =	sshll.u32 s1, $0xD;
	s1 =	sshrl.u32 s1, $0x2  }
0x31: {  	s3 =	sand.u32 $0x4000, s31;
	s1 =	sadd.s32 s1, s30  }
0x32: {  	s0 =	sor.u32 s3, s0;
	s1 =	sshll.u32 s1, $0x11  }
0x33: {  	s0 =	sor.u32 s1, s0  }
0x34: {  	s0 =	sadd.s32 $0x8F2B, s0  }
0x35: {  	[sflag:s0] =	ssyncadd.remote.s32 $0x1  }
0x36: {  	_ =	sfence.sel $0xFFFF  }
0x37: {  	[dreg:$0x0] =	wrdreg $0xFFFFFFFF;
	(pc) =	sbr.abs _section_cstart, $3  }
0x38: {  	[dreg:$0x1] =	wrdreg $0xFFFFFFFF  }
0x39: {  	_ =	task.clear_ibuf [dreg:s7], $0x2FFFF;
	_ =	strace $0x9FFFFFFF  }
0x3a: {  	(tm) =	ssettm $0x7FFFFFFF  }
0x3b: {  	_ =	shalt  }
tec
execute0_lowered:
.L_overlay_start_1:
0x0: {  	(tag) =	ssettag $0x1  }
0x1: {  	s0 =	srdreg.scid  }
0x2: {  	s1 =	sshll.u32 s0, $0x4  }
0x3: {  	s0 =	stileid.u32;
	s1 =	sand.u32 $0x10, s1  }
0x4: {  	s1 =	sor.u32 s0, s1  }
0x5: {  	s6 =	rddreg [dreg:$0x0];
	s4 =	simm.s32 $0x1;
	s2 =	sshll.u32 s1, $0x7  }
0x6: {  	s7 =	simm.s32 $0x2;
	s12 =	simm.s32 $0x0;
	s1 =	ssub.s32 $0x1000, s2  }
0x7: {  	s8 =	simm.s32 $0x8000;
	s13 =	simm.s32 $0x0;
	s3 =	sand.u32 $0xF80, s1  }
0x8: {  	s9 =	simm.s32 $0x0;
	s5 =	sshrl.u32 s1, $0xC;
	p0 =	sne.s32 s3, $0x0  }
.Ltmp0:
0x9: {  	s1 =	rddreg [dreg:$0x2];
	s4 =	simm.s32 @!p0 $0x0;
	(pc) =	sbr.rel .LBB1_1-.Ltmp0, $4  }
0xa: {  	s11 =	simm.s32 $0x0;
	s3 =	rddreg [dreg:$0x1];
	s5 =	sadd.s32 s4, s5  }
0xb: {  	_ =	strace $0x8000004A;
	s4 =	simm.s32 $0x1;
	s5 =	smul.u32 $0x32, s5  }
0xc: {  	s6 =	sadd.s32 $0x800, s6;
	s10 =	smov.u32 s2;
	[sflag:s4] =	ssyncpa.u1 $0x0  }
0xd: {  	p0 =	por $0x0, $0x0;
	[sflag:s7] =	ssyncpa.u1 $0x0;
	s7 =	sor.u32 $0x1, s5  }
.LBB1_4:
0xe: {  	s16 =	sshll.u32 s13, $0x3;
	s17 =	sand.u32 $0x78, s13  }
0xf: {  	s30 =	sand.u32 $0x7E00, s13;
	s12 =	sshll.u32 s12, $0xF;
	s16 =	sand.u32 $0xC00, s16  }
0x10: {  	[tilespmem:s15+$0x810 ss:$0x81] =	vst.msk $0xffff, v2;
	s31 =	sand.u32 $0x7, s13;
	s16 =	sor.u32 s17, s16;
	s17 =	sadd.s32 s3, s30  }
0x11: {  	[tilespmem:s15+$0x1020 ss:$0x81] =	vst.msk $0xffff, v0;
	s13 =	sshll.u32 s31, $0x12;
	s12 =	sadd.s32 s12, s17;
	s16 =	sshrl.u32 s16, $0x3  }
0x12: {  	[tilespmem:s15+$0x0 ss:$0x81] =	vst.msk $0xffff, v1;
	s13 =	sor.u32 $0x400, s13;
	s12 =	sadd.s32 s16, s12  }
0x13: {  	[hbm4b:s12+s13] =	stream.strided.scatter [tilespmem:s14], [sflag:$0x2], $0x2000, s8, s13, $0x20;
	[tilespmem:$0x8080] =	vst v63  }
.LBB1_5:
0x14: {  	s14 =	sadd.s32 $0x1, s9  }
0x15: {  	s12 =	sadd.s32 $0x1000, s10;
	s16 =	smov.u32 s10;
	p2 =	sgt.s32 s14, $0x31  }
0x16: {  	s16 =	smov.u32 @p2 s12  }
0x17: {  	s14 =	simm.s32 @p2 $0x0;
	p2 =	sgt.s32 s16, $0xFFF  }
0x18: {  	s16 =	smov.u32 @p2 s2;
	p2 =	sne.s32 s11, s7  }
.Ltmp1:
0x19: {  	p1 =	slt.u32 s11, $0x2;
	(pc) =	sbr.rel @!p2 .LBB1_6-.Ltmp1, $4  }
0x1a: {  	s15 =	simm.s32 @!p1 $0x2  }
0x1b: {  	s13 =	smov.u32 s10;
	p0 =	por !p0, !p0;
	_ =	swait.ge @!p1 [sflag:s15], $0x2000  }
0x1c: {  	s12 =	smov.u32 s9;
	[sflag:s15] =	ssyncset.done @!p1 $0x0;
	s9 =	smov.u32 s14  }
0x1d: {  	s11 =	sadd.s32 $0x1, s11;
	[sflag:s15] =	ssyncadd.s32 @!p1 $0xFFFFE000;
	s10 =	smov.u32 s16  }
.LBB1_1:
0x1e: {  	p1 =	sge.u32 s11, s5  }
0x1f: {  	s14 =	sand.u32 @!p1 $0x1FFFFFF, s9  }
0x20: {  	s15 =	smulhi.u32 @!p1 $0x4924925, s14;
	_ =	sdelay $0x1  }
0x21: {  	s15 =	smul.u32 @!p1 $0x38, s15  }
0x22: {  	s16 =	sxor.u32 @!p1 $0xFFFFFFFF, s11;
	s17 =	smul.u32 @!p1 $0x380, s10  }
0x23: {  	s31 =	sadd.s32 $0xFFFFFFFF, s11;
	s16 =	sshll.u32 @!p1 s16, $0xD;
	s14 =	ssub.s32 @!p1 s14, s15  }
0x24: {  	s15 =	sand.u32 @!p1 $0x2000, s16;
	s16 =	sadd.s32 @!p1 s6, s17;
	s14 =	sshll.u32 @!p1 s14, $0x4  }
0x25: {  	s17 =	simm.s32 @!p1 $0x1C00;
	s14 =	sadd.s32 @!p1 s14, s16;
	s16 =	simm.s32 @!p1 $0x40  }
0x26: {  	[tilespmem:s15], [sflag:$0x1] =	stream.strided.gather @!p1 [hbm4b:s14+s16], $0x2000, s17, s16, $0x38;
	[tilespmem:$0x8080] =	vst v63  }
0x27: {  	p1 =	sge.u32 s31, s5  }
.Ltmp2:
0x28: {  	_ = 	snop;
	(pc) =	sbr.rel @p1 .LBB1_5-.Ltmp2, $1  }
0x29: {  	_ =	sdelay $0x3  }
0x2a: {  	s14 =	simm.s32 $0x1  }
0x2b: {  	_ =	swait.ge [sflag:s4], $0x2000;
	s14 =	simm.s32 @!p0 $0x0  }
0x2c: {  	[sflag:s4] =	ssyncset.done $0x0;
	s15 =	sshll.u32 s14, $0xD  }
0x2d: {  	[sflag:s4] =	ssyncadd.s32 $0xFFFFE000;
	s18 =	sor.u32 $0x20, s15  }
0x2e: {  	s14 =	smul.u32 $0x8100, s14;
	v3 =	vld [tilespmem:s18+$0x10]  }
0x2f: {  	s30 =	sand.u32 $0x1, s11;
	v2 =	vld [tilespmem:s18+$0xFFFFFFF0]  }
0x30: {  	s15 =	smul.u32 $0x8100, s30;
	s14 =	sshrl.u32 s14, $0x2;
	v0 =	vld [tilespmem:s18+$0x0]  }
0x31: {  	v1 =	vld [tilespmem:s18+$0xFFFFFFE0];
	s16 =	sor.u32 $0x4000, s14  }
0x32: {  	s31 =	sshrl.u32 s15, $0x2;
	s15 =	sadd.s32 $0x0, s16  }
0x33: {  	s17 =	simm.s32 $0x4;
	s18 =	sadd.s32 $0x40, s18;
	s14 =	sor.u32 $0x4000, s31;
	[tilespmem:s15+$0x1830 ss:$0x81] =	vst.msk $0xffff, v3  }
.LBB1_3:
0x34: {  	v3 =	vld [tilespmem:s18+$0x10];
	p1 =	sne.s32 s17, $0x1FC;
	[tilespmem:s15+$0x810 ss:$0x81] =	vst.msk $0xffff, v2;
	s19 =	smov.u32 s17;
	s17 =	sadd.s32 $0x4, s17  }
.Ltmp3:
0x35: {  	v2 =	vld [tilespmem:s18+$0xFFFFFFF0];
	[tilespmem:s15+$0x1020 ss:$0x81] =	vst.msk $0xffff, v0;
	(pc) =	sbr.rel @p1 .LBB1_3-.Ltmp3, $4  }
0x36: {  	v0 =	vld [tilespmem:s18+$0x0];
	[tilespmem:s15+$0x0 ss:$0x81] =	vst.msk $0xffff, v1  }
0x37: {  	s15 =	sshra.s32 s19, $0x2;
	v1 =	vld [tilespmem:s18+$0xFFFFFFE0]  }
0x38: {  	s15 =	sadd.s32 s15, s16  }
0x39: {  	s18 =	sadd.s32 $0x40, s18;
	[tilespmem:s15+$0x1830 ss:$0x81] =	vst.msk $0xffff, v3  }
.Ltmp4:
0x3a: {  	_ = 	snop;
	(pc) =	sbr.rel .LBB1_4-.Ltmp4, $1  }
0x3b: {  	_ =	sdelay $0x3  }
.LBB1_6:
0x3c: {  	_ =	sfence.sel $0x180000  }
0x3d: {  	s2 =	simm.s32 $0x1;
	[bflag:$0x0] =	sbarrier.arrive $0xFFFF  }
0x3e: {  	s31 =	simm.s32 $0x2;
	[sflag:s2] =	ssyncpa.u1 $0x1  }
0x3f: {  	[sflag:s31] =	ssyncpa.u1 $0x1  }
0x40: {  	p0 =	sne.s32 s0, $0x0;
	_ =	strace $0x9000004A  }
0x41: {  	s0 =	sadd.s32 @!p0 $0x100000, s1;
	[bflag:$0x2] =	sbarrier.arrive $0xFFFF  }
0x42: {  	[sflag:s0] =	ssyncadd.tile.s32 @!p0 $0x1;
	_ =	shalt  }
.Lfunc_end1:
_tile_overlayer_lowered:
.L_overlay_start_2:
0x43: {  	(tag) =	ssettag $0x2  }
0x44: {  	s0 =	rddreg [dreg:$0x0];
	s2 =	stileid.u32  }
0x45: {  	s1 =	rddreg [dreg:$0x1];
	p0 =	sne.s32 s2, $0x0  }
0x46: {  	s3 =	rddreg [dreg:$0x2];
	[bflag:$0x3] =	sbarrier.arrive $0xFFFF;
	s2 =	simm.s32 @!p0 $0x1C01  }
0x47: {  	[timem:s3], [sflag:s2] =	dma.local @!p0 [hbm:s0], s1  }
0x48: {  	s0 =	simm.s32 @!p0 $0x1  }
0x49: {  	_ =	swait.ge @!p0 [sflag:s0], s1  }
0x4a: {  	s1 =	ssub.s32 @!p0 $0x0, s1;
	[sflag:s0] =	ssyncset.done @!p0 $0x0  }
0x4b: {  	[sflag:s0] =	ssyncadd.s32 @!p0 s1  }
0x4c: {  	[bflag:$0x3] =	sbarrier.arrive $0xFFFF  }
0x4d: {  	_ =	shalt  }

</sc_bundles>
